<compile_context>
chip_gen: v7x
topology: tpu7x:2x2x1
jax: 0.10.2.dev20260603
libtpu: 0.0.44.dev20260713+nightly
codegen_flags: <defaults>
</compile_context>

<pallas_src>
import jax
import jax.numpy as jnp
from jax import lax
from jax.experimental import pallas as pl
from jax.experimental.pallas import tpu as pltpu
from jax.experimental.pallas import tpu_sc as plsc

B, T, C = 16, 2048, 80
NW = 32
HALF_T = T // 2
CT = 128
NCH = HALF_T // CT
NG = C // 16
STOP_WEIGHT = 8.0


def _sc_mel_body(len_hbm, pm_hbm, qm_hbm, ml_hbm, out_hbm,
                 len_sm, pm_b, qm_b, ml_b, acc_b, sems):
    c = lax.axis_index("c")
    s = lax.axis_index("s")
    w = s * 2 + c
    b = w // 2
    h = w % 2
    t0 = h * HALF_T

    pltpu.sync_copy(len_hbm, len_sm)
    lv = len_sm[...]
    ln = jnp.sum(jnp.where(lax.iota(jnp.int32, 16) == b, lv, 0))

    hbm_refs = (pm_hbm, qm_hbm, ml_hbm)
    bufs = (pm_b, qm_b, ml_b)

    def n_valid_frames(j):
        return jnp.clip(ln - (t0 + j * CT), 0, CT)

    def start_chunk(j):
        slot = lax.rem(j, 2)

        @pl.when(n_valid_frames(j) > 0)
        def _():
            for k in range(3):
                pltpu.async_copy(
                    hbm_refs[k].at[b, pl.ds(t0 + j * CT, CT), :],
                    bufs[k].at[slot],
                    sems.at[slot, k],
                )

    def wait_chunk(j):
        slot = lax.rem(j, 2)

        @pl.when(n_valid_frames(j) > 0)
        def _():
            for k in range(3):
                pltpu.make_async_copy(
                    hbm_refs[k].at[b, pl.ds(t0 + j * CT, CT), :],
                    bufs[k].at[slot],
                    sems.at[slot, k],
                ).wait()

    start_chunk(0)

    def chunk_body(j, accs):
        @pl.when(j + 1 < NCH)
        def _():
            start_chunk(j + 1)

        wait_chunk(j)
        slot = lax.rem(j, 2)
        nv = n_valid_frames(j)

        def frame_body(ti, accs):
            aps, aqs = accs
            new_p = []
            new_q = []
            for g in range(NG):
                sl = pl.ds(g * 16, 16)
                mv = ml_b[slot, ti, sl]
                dp = pm_b[slot, ti, sl] - mv
                dq = qm_b[slot, ti, sl] - mv
                new_p.append(aps[g] + dp * dp)
                new_q.append(aqs[g] + dq * dq)
            return (tuple(new_p), tuple(new_q))

        return lax.fori_loop(0, nv, frame_body, accs)

    zeros = tuple(jnp.zeros((16,), jnp.float32) for _ in range(NG))
    aps, aqs = lax.fori_loop(0, NCH, chunk_body, (zeros, zeros))

    for g in range(NG):
        acc_b[g] = aps[g]
        acc_b[NG + g] = aqs[g]
    zv = jnp.zeros((16,), jnp.float32)
    for r in range(2 * NG, 16):
        acc_b[r] = zv

    pltpu.sync_copy(acc_b, out_hbm.at[w])


def _tc_combine_body(len_ref, x_ref, part_ref, out_ref):
    lens = len_ref[:, :1]

    part = part_ref[...]
    se_p = jnp.sum(part[:, :NG, :])
    se_q = jnp.sum(part[:, NG:2 * NG, :])

    t = jax.lax.broadcasted_iota(jnp.int32, (B, T), 1)
    m = jnp.where(t < lens, 1.0, 0.0)
    y = jnp.where(t == lens - 1, 1.0, 0.0)
    x = x_ref[...]
    sp_neg = jnp.maximum(-x, 0.0) + jnp.log1p(jnp.exp(-jnp.abs(x)))
    per = STOP_WEIGHT * y * sp_neg + (1.0 - y) * (x + sp_neg)
    s_stop = jnp.sum(per * m)
    n_valid = jnp.sum(m)

    pred_mel_loss = se_p / (n_valid * C)
    post_mel_loss = se_q / (n_valid * C)
    stop_loss = s_stop / n_valid
    out_ref[0] = pred_mel_loss + 0.5 * post_mel_loss + stop_loss
    out_ref[1] = pred_mel_loss
    out_ref[2] = post_mel_loss
    out_ref[3] = stop_loss


@jax.jit
def _ttsloss(pred_melspec, post_melspec, pred_stop, mel, lengths):
    lengths = lengths.astype(jnp.int32)

    mesh = plsc.VectorSubcoreMesh(core_axis_name="c", subcore_axis_name="s")
    sc_mel = pl.kernel(
        _sc_mel_body,
        out_type=jax.ShapeDtypeStruct((NW, 16, 16), jnp.float32),
        mesh=mesh,
        compiler_params=pltpu.CompilerParams(needs_layout_passes=False),
        scratch_types=[
            pltpu.VMEM((B,), jnp.int32),
            pltpu.VMEM((2, CT, C), jnp.float32),
            pltpu.VMEM((2, CT, C), jnp.float32),
            pltpu.VMEM((2, CT, C), jnp.float32),
            pltpu.VMEM((16, 16), jnp.float32),
            pltpu.SemaphoreType.DMA((2, 3)),
        ],
    )
    partials = sc_mel(lengths, pred_melspec, post_melspec, mel)

    len_b = jnp.broadcast_to(lengths[:, None], (B, 128))
    out = pl.pallas_call(
        _tc_combine_body,
        grid=(1,),
        in_specs=[
            pl.BlockSpec((B, 128), lambda i: (0, 0)),
            pl.BlockSpec((B, T), lambda i: (0, 0)),
            pl.BlockSpec((NW, 16, 16), lambda i: (0, 0, 0)),
        ],
        out_specs=pl.BlockSpec(memory_space=pltpu.SMEM),
        out_shape=jax.ShapeDtypeStruct((4,), jnp.float32),
    )(len_b, pred_stop, partials)

    return out


def kernel(pred_melspec, post_melspec, pred_stop, mel, lengths):
    return _ttsloss(pred_melspec, post_melspec, pred_stop, mel, lengths)

# --- scband reference (transcript-rebuilt; emitter-appended) ---
"""Pipeline reference for scband-transformer-ttsloss-26371099198176 (READ-ONLY COPY).

The authoritative reference and input builder live on the scoring server;
editing this copy changes nothing except your own understanding.
"""

import jax, jax.numpy as jnp
import numpy as np


def setup_inputs(seed: int = 0) -> dict:
    key = jax.random.key(seed)
    ks = jax.random.split(key, 5)
    B, T, C = 16, 2048, 80
    pred_melspec = jax.random.normal(ks[0], (B, T, C), dtype=jnp.float32)
    post_melspec = jax.random.normal(ks[1], (B, T, C), dtype=jnp.float32)
    pred_stop = jax.random.normal(ks[2], (B, T), dtype=jnp.float32)
    mel = jax.random.normal(ks[3], (B, T, C), dtype=jnp.float32)
    # lengths in [T//2, T] so every sequence has a non-empty mask and a valid gate frame
    lengths = jax.random.randint(ks[4], (B,), T // 2, T + 1)
    return {
        'pred_melspec': pred_melspec,
        'post_melspec': post_melspec,
        'pred_stop': pred_stop,
        'mel': mel,
        'lengths': lengths,
    }


def reference(pred_melspec, post_melspec, pred_stop, mel, lengths):
    stop_weight = 8.0
    B, T, C = pred_melspec.shape
    seq_range = jnp.arange(T)[None, :]
    mask = seq_range < lengths[:, None]            # [B, T] bool
    gate = seq_range == (lengths[:, None] - 1)     # [B, T] bool
    maskf = mask.astype(jnp.float32)
    n_valid = jnp.sum(maskf)                       # number of valid frames

    # MSE over masked frames == sum of squared error over valid frames / (n_valid * C)
    def masked_mse(a, b):
        se = jnp.sum(((a - b) ** 2) * maskf[:, :, None])
        return se / (n_valid * C)

    pred_mel_loss = masked_mse(pred_melspec, mel)
    post_mel_loss = masked_mse(post_melspec, mel)
    mel_loss = pred_mel_loss + 0.5 * post_mel_loss

    # BCE-with-logits with pos_weight, mean over masked positions.
    # l = pos_weight * y * softplus(-x) + (1 - y) * (x + softplus(-x))
    y = gate.astype(jnp.float32)
    x = pred_stop
    sp_neg = jax.nn.softplus(-x)
    per_elem = stop_weight * y * sp_neg + (1.0 - y) * (x + sp_neg)
    stop_loss = jnp.sum(per_elem * maskf) / n_valid

    total_loss = mel_loss + stop_loss
    return jnp.stack([total_loss, pred_mel_loss, post_mel_loss, stop_loss])

if __name__ == "__main__":
    import jax
    _d = setup_inputs()
    print(jax.jit(kernel)(*tuple(_d.values())))

</pallas_src>

<mosaic_0001>
#map = affine_map<(d0, d1) -> (0)>
#map1 = affine_map<(d0, d1) -> (0, 0, 0)>
module attributes {stable_mosaic.version = 14 : i64} {
  func.func @_sc_mel_body(%arg0: i32, %arg1: i32, %arg2: memref<16xi32, #tpu.memory_space<hbm>>, %arg3: memref<16x2048x80xf32, #tpu.memory_space<hbm>>, %arg4: memref<16x2048x80xf32, #tpu.memory_space<hbm>>, %arg5: memref<16x2048x80xf32, #tpu.memory_space<hbm>>, %arg6: memref<32x16x16xf32, #tpu.memory_space<hbm>>, %arg7: memref<16xi32, #tpu.memory_space<vmem>>, %arg8: memref<2x128x80xf32, #tpu.memory_space<vmem>>, %arg9: memref<2x128x80xf32, #tpu.memory_space<vmem>>, %arg10: memref<2x128x80xf32, #tpu.memory_space<vmem>>, %arg11: memref<16x16xf32, #tpu.memory_space<vmem>>, %arg12: memref<2x3x!tpu.dma_semaphore, #tpu.memory_space<semaphore_mem>>) attributes {dimension_semantics = [#tpu.dimension_semantics<core_parallel>, #tpu.dimension_semantics<subcore_parallel>], iteration_bounds = array<i64: 2, 16>, scalar_prefetch = 0 : i64, scratch_operands = 6 : i64, tpu.core_type = #tpu.core_type<sc_vector_subcore>, window_params = [{transform_indices = #map}, {transform_indices = #map1}, {transform_indices = #map1}, {transform_indices = #map1}, {transform_indices = #map1}]} {
    %mul3A = arith.constant 2 : i32
    %mul3A_0 = arith.muli %arg1, %mul3A : i32
    %add3A = arith.addi %mul3A_0, %arg0 : i32
    %jit3A = arith.constant 2 : i32
    %div3A = arith.divsi %add3A, %jit3A : i32
    %sign3A = arith.constant 0 : i32
    %sign3A_1 = arith.cmpi sgt, %add3A, %sign3A : i32
    %sign3A_2 = arith.extui %sign3A_1 : i1 to i32
    %sign3A_3 = arith.constant 0 : i32
    %sign3A_4 = arith.cmpi slt, %add3A, %sign3A_3 : i32
    %sign3A_5 = arith.extui %sign3A_4 : i1 to i32
    %sign3A_6 = arith.subi %sign3A_2, %sign3A_5 : i32
    %sign3A_7 = arith.constant 0 : i32
    %sign3A_8 = arith.cmpi sgt, %jit3A, %sign3A_7 : i32
    %sign3A_9 = arith.extui %sign3A_8 : i1 to i32
    %sign3A_10 = arith.constant 0 : i32
    %sign3A_11 = arith.cmpi slt, %jit3A, %sign3A_10 : i32
    %sign3A_12 = arith.extui %sign3A_11 : i1 to i32
    %sign3A_13 = arith.subi %sign3A_9, %sign3A_12 : i32
    %ne3A = arith.cmpi ne, %sign3A_6, %sign3A_13 : i32
    %rem3A = arith.remsi %add3A, %jit3A : i32
    %ne3A_14 = arith.constant 0 : i32
    %ne3A_15 = arith.cmpi ne, %rem3A, %ne3A_14 : i32
    %and3A = arith.andi %ne3A, %ne3A_15 : i1
    %sub3A = arith.constant 1 : i32
    %sub3A_16 = arith.subi %div3A, %sub3A : i32
    %select_n3A = arith.select %and3A, %sub3A_16, %div3A : i32
    %jit3A_17 = arith.constant 2 : i32
    %eq3A = arith.constant 0 : i32
    %eq3A_18 = arith.cmpi eq, %jit3A_17, %eq3A : i32
    %jit3A_19 = arith.constant 1 : i32
    %select_n3A_20 = arith.select %eq3A_18, %jit3A_19, %jit3A_17 : i32
    %rem3A_21 = arith.remsi %add3A, %select_n3A_20 : i32
    %ne3A_22 = arith.constant 0 : i32
    %ne3A_23 = arith.cmpi ne, %rem3A_21, %ne3A_22 : i32
    %lt3A = arith.constant 0 : i32
    %lt3A_24 = arith.cmpi slt, %rem3A_21, %lt3A : i32
    %lt3A_25 = arith.constant 0 : i32
    %lt3A_26 = arith.cmpi slt, %select_n3A_20, %lt3A_25 : i32
    %ne3A_27 = arith.xori %lt3A_24, %lt3A_26 : i1
    %and3A_28 = arith.andi %ne3A_27, %ne3A_23 : i1
    %add3A_29 = arith.addi %rem3A_21, %select_n3A_20 : i32
    %select_n3A_30 = arith.select %and3A_28, %add3A_29, %rem3A_21 : i32
    %mul3A_31 = arith.constant 1024 : i32
    %mul3A_32 = arith.muli %select_n3A_30, %mul3A_31 : i32
    "tpu.region"() ({
      %run_scoped3A = tpu.sem_alloc : memref<!tpu.dma_semaphore, #tpu.memory_space<semaphore_mem>>
      tpu.enqueue_dma source(%arg2 : memref<16xi32, #tpu.memory_space<hbm>>) target(%arg7 : memref<16xi32, #tpu.memory_space<vmem>>) target_semaphore(%run_scoped3A : memref<!tpu.dma_semaphore, #tpu.memory_space<semaphore_mem>>)
      tpu.wait_dma2 semaphore(%run_scoped3A : memref<!tpu.dma_semaphore, #tpu.memory_space<semaphore_mem>>) src(%arg2 : memref<16xi32, #tpu.memory_space<hbm>>) dst(%arg7 : memref<16xi32, #tpu.memory_space<vmem>>)
      tpu.yield
    }) : () -> ()
    %get3A = arith.constant 0 : index
    %get3A_33 = tpu.vector_load %arg7[%get3A] {strides = array<i32>} : memref<16xi32, #tpu.memory_space<vmem>>, vector<16xi32>,
    %iota3A = tpu.iota {dimensions = array<i32: 0>} : vector<16xi32>
    %eq3A_34 = vector.broadcast %select_n3A : i32 to vector<16xi32>
    %eq3A_35 = arith.cmpi eq, %iota3A, %eq3A_34 : vector<16xi32>
    %jit3A_36 = arith.constant 0 : i32
    %broadcast_in_dim3A = vector.broadcast %jit3A_36 : i32 to vector<16xi32>
    %select_n3A_37 = arith.select %eq3A_35, %get3A_33, %broadcast_in_dim3A : vector<16xi1>, vector<16xi32>
    %reduce_sum3A = arith.constant true
    %reduce_sum3A_38 = vector.broadcast %reduce_sum3A : i1 to vector<16xi1>
    %reduce_sum3A_39 = tpu.scan <sum>, %select_n3A_37 masked %reduce_sum3A_38 : vector<16xi32>, vector<16xi1> -> vector<16xi32>
    %reduce_sum3A_40 = vector.extract %reduce_sum3A_39[15] : i32 from vector<16xi32>
    %rem3A_41 = arith.constant 0 : i32
    %rem3A_42 = arith.constant 2 : i32
    %rem3A_43 = arith.remsi %rem3A_41, %rem3A_42 : i32
    %add3A_44 = arith.constant 0 : i32
    %add3A_45 = arith.addi %mul3A_32, %add3A_44 : i32
    %sub3A_46 = arith.subi %reduce_sum3A_40, %add3A_45 : i32
    %jit3A_47 = arith.constant 0 : i32
    %jit3A_48 = arith.constant 128 : i32
    %max3A = arith.maxsi %jit3A_47, %sub3A_46 : i32
    %min3A = arith.minsi %jit3A_48, %max3A : i32
    %gt3A = arith.constant 0 : i32
    %gt3A_49 = arith.cmpi sgt, %min3A, %gt3A : i32
    %convert_element_type3A = arith.extui %gt3A_49 : i1 to i32
    %cond3A = arith.constant 0 : i32
    %cond3A_50 = arith.cmpi ne, %convert_element_type3A, %cond3A : i32
    scf.if %cond3A_50 {
      %add3A_131 = arith.constant 0 : i32
      %add3A_132 = arith.addi %mul3A_32, %add3A_131 : i32
      %dma_start3A = arith.constant 0 : i32
      %dma_start3A_133 = arith.constant 0 : i32
      %dma_start3A_134 = arith.constant 0 : i32
      %dma_start3A_135 = tpu.memref_slice %arg8[%rem3A_43, %dma_start3A_133, %dma_start3A_134] : memref<2x128x80xf32, #tpu.memory_space<vmem>> -> memref<1x128x80xf32, #tpu.memory_space<vmem>>
      %dma_start3A_136 = tpu.memref_squeeze %dma_start3A_135 : memref<1x128x80xf32, #tpu.memory_space<vmem>> -> memref<128x80xf32, #tpu.memory_space<vmem>>
      %dma_start3A_137 = arith.constant 0 : i32
      %dma_start3A_138 = tpu.memref_slice %arg3[%select_n3A, %add3A_132, %dma_start3A_137] : memref<16x2048x80xf32, #tpu.memory_space<hbm>> -> memref<1x128x80xf32, #tpu.memory_space<hbm>>
      %dma_start3A_139 = tpu.memref_squeeze %dma_start3A_138 : memref<1x128x80xf32, #tpu.memory_space<hbm>> -> memref<128x80xf32, #tpu.memory_space<hbm>>
      %dma_start3A_140 = tpu.memref_slice %arg12[%rem3A_43, %dma_start3A] : memref<2x3x!tpu.dma_semaphore, #tpu.memory_space<semaphore_mem>> -> memref<1x1x!tpu.dma_semaphore, #tpu.memory_space<semaphore_mem>>
      %dma_start3A_141 = tpu.memref_squeeze %dma_start3A_140 : memref<1x1x!tpu.dma_semaphore, #tpu.memory_space<semaphore_mem>> -> memref<!tpu.dma_semaphore, #tpu.memory_space<semaphore_mem>>
      %dma_start3A_142 = arith.constant 0 : i32
      %dma_start3A_143 = arith.constant 0 : i32
      %dma_start3A_144 = tpu.memref_slice %arg8[%rem3A_43, %dma_start3A_142, %dma_start3A_143] : memref<2x128x80xf32, #tpu.memory_space<vmem>> -> memref<1x128x80xf32, #tpu.memory_space<vmem>>
      %dma_start3A_145 = tpu.memref_squeeze %dma_start3A_144 : memref<1x128x80xf32, #tpu.memory_space<vmem>> -> memref<128x80xf32, #tpu.memory_space<vmem>>
      %dma_start3A_146 = arith.constant 0 : i32
      %dma_start3A_147 = tpu.memref_slice %arg3[%select_n3A, %add3A_132, %dma_start3A_146] : memref<16x2048x80xf32, #tpu.memory_space<hbm>> -> memref<1x128x80xf32, #tpu.memory_space<hbm>>
      %dma_start3A_148 = tpu.memref_squeeze %dma_start3A_147 : memref<1x128x80xf32, #tpu.memory_space<hbm>> -> memref<128x80xf32, #tpu.memory_space<hbm>>
      tpu.enqueue_dma source(%dma_start3A_148 : memref<128x80xf32, #tpu.memory_space<hbm>>) target(%dma_start3A_145 : memref<128x80xf32, #tpu.memory_space<vmem>>) target_semaphore(%dma_start3A_141 : memref<!tpu.dma_semaphore, #tpu.memory_space<semaphore_mem>>)
      %add3A_149 = arith.constant 0 : i32
      %add3A_150 = arith.addi %mul3A_32, %add3A_149 : i32
      %dma_start3A_151 = arith.constant 1 : i32
      %dma_start3A_152 = arith.constant 0 : i32
      %dma_start3A_153 = arith.constant 0 : i32
      %dma_start3A_154 = tpu.memref_slice %arg9[%rem3A_43, %dma_start3A_152, %dma_start3A_153] : memref<2x128x80xf32, #tpu.memory_space<vmem>> -> memref<1x128x80xf32, #tpu.memory_space<vmem>>
      %dma_start3A_155 = tpu.memref_squeeze %dma_start3A_154 : memref<1x128x80xf32, #tpu.memory_space<vmem>> -> memref<128x80xf32, #tpu.memory_space<vmem>>
      %dma_start3A_156 = arith.constant 0 : i32
      %dma_start3A_157 = tpu.memref_slice %arg4[%select_n3A, %add3A_150, %dma_start3A_156] : memref<16x2048x80xf32, #tpu.memory_space<hbm>> -> memref<1x128x80xf32, #tpu.memory_space<hbm>>
      %dma_start3A_158 = tpu.memref_squeeze %dma_start3A_157 : memref<1x128x80xf32, #tpu.memory_space<hbm>> -> memref<128x80xf32, #tpu.memory_space<hbm>>
      %dma_start3A_159 = tpu.memref_slice %arg12[%rem3A_43, %dma_start3A_151] : memref<2x3x!tpu.dma_semaphore, #tpu.memory_space<semaphore_mem>> -> memref<1x1x!tpu.dma_semaphore, #tpu.memory_space<semaphore_mem>>
      %dma_start3A_160 = tpu.memref_squeeze %dma_start3A_159 : memref<1x1x!tpu.dma_semaphore, #tpu.memory_space<semaphore_mem>> -> memref<!tpu.dma_semaphore, #tpu.memory_space<semaphore_mem>>
      %dma_start3A_161 = arith.constant 0 : i32
      %dma_start3A_162 = arith.constant 0 : i32
      %dma_start3A_163 = tpu.memref_slice %arg9[%rem3A_43, %dma_start3A_161, %dma_start3A_162] : memref<2x128x80xf32, #tpu.memory_space<vmem>> -> memref<1x128x80xf32, #tpu.memory_space<vmem>>
      %dma_start3A_164 = tpu.memref_squeeze %dma_start3A_163 : memref<1x128x80xf32, #tpu.memory_space<vmem>> -> memref<128x80xf32, #tpu.memory_space<vmem>>
      %dma_start3A_165 = arith.constant 0 : i32
      %dma_start3A_166 = tpu.memref_slice %arg4[%select_n3A, %add3A_150, %dma_start3A_165] : memref<16x2048x80xf32, #tpu.memory_space<hbm>> -> memref<1x128x80xf32, #tpu.memory_space<hbm>>
      %dma_start3A_167 = tpu.memref_squeeze %dma_start3A_166 : memref<1x128x80xf32, #tpu.memory_space<hbm>> -> memref<128x80xf32, #tpu.memory_space<hbm>>
      tpu.enqueue_dma source(%dma_start3A_167 : memref<128x80xf32, #tpu.memory_space<hbm>>) target(%dma_start3A_164 : memref<128x80xf32, #tpu.memory_space<vmem>>) target_semaphore(%dma_start3A_160 : memref<!tpu.dma_semaphore, #tpu.memory_space<semaphore_mem>>)
      %add3A_168 = arith.constant 0 : i32
      %add3A_169 = arith.addi %mul3A_32, %add3A_168 : i32
      %dma_start3A_170 = arith.constant 2 : i32
      %dma_start3A_171 = arith.constant 0 : i32
      %dma_start3A_172 = arith.constant 0 : i32
      %dma_start3A_173 = tpu.memref_slice %arg10[%rem3A_43, %dma_start3A_171, %dma_start3A_172] : memref<2x128x80xf32, #tpu.memory_space<vmem>> -> memref<1x128x80xf32, #tpu.memory_space<vmem>>
      %dma_start3A_174 = tpu.memref_squeeze %dma_start3A_173 : memref<1x128x80xf32, #tpu.memory_space<vmem>> -> memref<128x80xf32, #tpu.memory_space<vmem>>
      %dma_start3A_175 = arith.constant 0 : i32
      %dma_start3A_176 = tpu.memref_slice %arg5[%select_n3A, %add3A_169, %dma_start3A_175] : memref<16x2048x80xf32, #tpu.memory_space<hbm>> -> memref<1x128x80xf32, #tpu.memory_space<hbm>>
      %dma_start3A_177 = tpu.memref_squeeze %dma_start3A_176 : memref<1x128x80xf32, #tpu.memory_space<hbm>> -> memref<128x80xf32, #tpu.memory_space<hbm>>
      %dma_start3A_178 = tpu.memref_slice %arg12[%rem3A_43, %dma_start3A_170] : memref<2x3x!tpu.dma_semaphore, #tpu.memory_space<semaphore_mem>> -> memref<1x1x!tpu.dma_semaphore, #tpu.memory_space<semaphore_mem>>
      %dma_start3A_179 = tpu.memref_squeeze %dma_start3A_178 : memref<1x1x!tpu.dma_semaphore, #tpu.memory_space<semaphore_mem>> -> memref<!tpu.dma_semaphore, #tpu.memory_space<semaphore_mem>>
      %dma_start3A_180 = arith.constant 0 : i32
      %dma_start3A_181 = arith.constant 0 : i32
      %dma_start3A_182 = tpu.memref_slice %arg10[%rem3A_43, %dma_start3A_180, %dma_start3A_181] : memref<2x128x80xf32, #tpu.memory_space<vmem>> -> memref<1x128x80xf32, #tpu.memory_space<vmem>>
      %dma_start3A_183 = tpu.memref_squeeze %dma_start3A_182 : memref<1x128x80xf32, #tpu.memory_space<vmem>> -> memref<128x80xf32, #tpu.memory_space<vmem>>
      %dma_start3A_184 = arith.constant 0 : i32
      %dma_start3A_185 = tpu.memref_slice %arg5[%select_n3A, %add3A_169, %dma_start3A_184] : memref<16x2048x80xf32, #tpu.memory_space<hbm>> -> memref<1x128x80xf32, #tpu.memory_space<hbm>>
      %dma_start3A_186 = tpu.memref_squeeze %dma_start3A_185 : memref<1x128x80xf32, #tpu.memory_space<hbm>> -> memref<128x80xf32, #tpu.memory_space<hbm>>
      tpu.enqueue_dma source(%dma_start3A_186 : memref<128x80xf32, #tpu.memory_space<hbm>>) target(%dma_start3A_183 : memref<128x80xf32, #tpu.memory_space<vmem>>) target_semaphore(%dma_start3A_179 : memref<!tpu.dma_semaphore, #tpu.memory_space<semaphore_mem>>)
    } else {
    }
    %broadcast_in_dim3A_51 = arith.constant 0.000000e+00 : f32
    %broadcast_in_dim3A_52 = vector.broadcast %broadcast_in_dim3A_51 : f32 to vector<16xf32>
    %broadcast_in_dim3A_53 = arith.constant 0.000000e+00 : f32
    %broadcast_in_dim3A_54 = vector.broadcast %broadcast_in_dim3A_53 : f32 to vector<16xf32>
    %broadcast_in_dim3A_55 = arith.constant 0.000000e+00 : f32
    %broadcast_in_dim3A_56 = vector.broadcast %broadcast_in_dim3A_55 : f32 to vector<16xf32>
    %broadcast_in_dim3A_57 = arith.constant 0.000000e+00 : f32
    %broadcast_in_dim3A_58 = vector.broadcast %broadcast_in_dim3A_57 : f32 to vector<16xf32>
    %broadcast_in_dim3A_59 = arith.constant 0.000000e+00 : f32
    %broadcast_in_dim3A_60 = vector.broadcast %broadcast_in_dim3A_59 : f32 to vector<16xf32>
    %scan3A = arith.constant 0 : i32
    %scan3A_61 = arith.constant 8 : i32
    %scan3A_62 = arith.addi %scan3A, %scan3A_61 : i32
    %scan3A_63 = arith.constant 1 : i32
    %scan3A_64:10 = scf.for %scan3A_131 = %scan3A to %scan3A_62 step %scan3A_63 iter_args(%scan3A_132 = %broadcast_in_dim3A_52, %scan3A_133 = %broadcast_in_dim3A_54, %scan3A_134 = %broadcast_in_dim3A_56, %scan3A_135 = %broadcast_in_dim3A_58, %scan3A_136 = %broadcast_in_dim3A_60, %scan3A_137 = %broadcast_in_dim3A_52, %scan3A_138 = %broadcast_in_dim3A_54, %scan3A_139 = %broadcast_in_dim3A_56, %scan3A_140 = %broadcast_in_dim3A_58, %scan3A_141 = %broadcast_in_dim3A_60) -> (vector<16xf32>, vector<16xf32>, vector<16xf32>, vector<16xf32>, vector<16xf32>, vector<16xf32>, vector<16xf32>, vector<16xf32>, vector<16xf32>, vector<16xf32>)  : i32 {
      %add3A_142 = arith.constant 1 : i32
      %add3A_143 = arith.addi %scan3A_131, %add3A_142 : i32
      %lt3A_144 = arith.constant 8 : i32
      %lt3A_145 = arith.cmpi slt, %add3A_143, %lt3A_144 : i32
      %convert_element_type3A_146 = arith.extui %lt3A_145 : i1 to i32
      %cond3A_147 = arith.constant 0 : i32
      %cond3A_148 = arith.cmpi ne, %convert_element_type3A_146, %cond3A_147 : i32
      scf.if %cond3A_148 {
        %add3A_184 = arith.constant 1 : i32
        %add3A_185 = arith.addi %scan3A_131, %add3A_184 : i32
        %rem3A_186 = arith.constant 2 : i32
        %rem3A_187 = arith.remsi %add3A_185, %rem3A_186 : i32
        %mul3A_188 = arith.constant 128 : i32
        %mul3A_189 = arith.muli %add3A_185, %mul3A_188 : i32
        %add3A_190 = arith.addi %mul3A_32, %mul3A_189 : i32
        %sub3A_191 = arith.subi %reduce_sum3A_40, %add3A_190 : i32
        %jit3A_192 = arith.constant 0 : i32
        %jit3A_193 = arith.constant 128 : i32
        %max3A_194 = arith.maxsi %jit3A_192, %sub3A_191 : i32
        %min3A_195 = arith.minsi %jit3A_193, %max3A_194 : i32
        %gt3A_196 = arith.constant 0 : i32
        %gt3A_197 = arith.cmpi sgt, %min3A_195, %gt3A_196 : i32
        %convert_element_type3A_198 = arith.extui %gt3A_197 : i1 to i32
        %cond3A_199 = arith.constant 0 : i32
        %cond3A_200 = arith.cmpi ne, %convert_element_type3A_198, %cond3A_199 : i32
        scf.if %cond3A_200 {
          %mul3A_201 = arith.constant 128 : i32
          %mul3A_202 = arith.muli %add3A_185, %mul3A_201 : i32
          %add3A_203 = arith.addi %mul3A_32, %mul3A_202 : i32
          %dma_start3A = arith.constant 0 : i32
          %dma_start3A_204 = arith.constant 0 : i32
          %dma_start3A_205 = arith.constant 0 : i32
          %dma_start3A_206 = tpu.memref_slice %arg8[%rem3A_187, %dma_start3A_204, %dma_start3A_205] : memref<2x128x80xf32, #tpu.memory_space<vmem>> -> memref<1x128x80xf32, #tpu.memory_space<vmem>>
          %dma_start3A_207 = tpu.memref_squeeze %dma_start3A_206 : memref<1x128x80xf32, #tpu.memory_space<vmem>> -> memref<128x80xf32, #tpu.memory_space<vmem>>
          %dma_start3A_208 = arith.constant 0 : i32
          %dma_start3A_209 = tpu.memref_slice %arg3[%select_n3A, %add3A_203, %dma_start3A_208] : memref<16x2048x80xf32, #tpu.memory_space<hbm>> -> memref<1x128x80xf32, #tpu.memory_space<hbm>>
          %dma_start3A_210 = tpu.memref_squeeze %dma_start3A_209 : memref<1x128x80xf32, #tpu.memory_space<hbm>> -> memref<128x80xf32, #tpu.memory_space<hbm>>
          %dma_start3A_211 = tpu.memref_slice %arg12[%rem3A_187, %dma_start3A] : memref<2x3x!tpu.dma_semaphore, #tpu.memory_space<semaphore_mem>> -> memref<1x1x!tpu.dma_semaphore, #tpu.memory_space<semaphore_mem>>
          %dma_start3A_212 = tpu.memref_squeeze %dma_start3A_211 : memref<1x1x!tpu.dma_semaphore, #tpu.memory_space<semaphore_mem>> -> memref<!tpu.dma_semaphore, #tpu.memory_space<semaphore_mem>>
          %dma_start3A_213 = arith.constant 0 : i32
          %dma_start3A_214 = arith.constant 0 : i32
          %dma_start3A_215 = tpu.memref_slice %arg8[%rem3A_187, %dma_start3A_213, %dma_start3A_214] : memref<2x128x80xf32, #tpu.memory_space<vmem>> -> memref<1x128x80xf32, #tpu.memory_space<vmem>>
          %dma_start3A_216 = tpu.memref_squeeze %dma_start3A_215 : memref<1x128x80xf32, #tpu.memory_space<vmem>> -> memref<128x80xf32, #tpu.memory_space<vmem>>
          %dma_start3A_217 = arith.constant 0 : i32
          %dma_start3A_218 = tpu.memref_slice %arg3[%select_n3A, %add3A_203, %dma_start3A_217] : memref<16x2048x80xf32, #tpu.memory_space<hbm>> -> memref<1x128x80xf32, #tpu.memory_space<hbm>>
          %dma_start3A_219 = tpu.memref_squeeze %dma_start3A_218 : memref<1x128x80xf32, #tpu.memory_space<hbm>> -> memref<128x80xf32, #tpu.memory_space<hbm>>
          tpu.enqueue_dma source(%dma_start3A_219 : memref<128x80xf32, #tpu.memory_space<hbm>>) target(%dma_start3A_216 : memref<128x80xf32, #tpu.memory_space<vmem>>) target_semaphore(%dma_start3A_212 : memref<!tpu.dma_semaphore, #tpu.memory_space<semaphore_mem>>)
          %mul3A_220 = arith.constant 128 : i32
          %mul3A_221 = arith.muli %add3A_185, %mul3A_220 : i32
          %add3A_222 = arith.addi %mul3A_32, %mul3A_221 : i32
          %dma_start3A_223 = arith.constant 1 : i32
          %dma_start3A_224 = arith.constant 0 : i32
          %dma_start3A_225 = arith.constant 0 : i32
          %dma_start3A_226 = tpu.memref_slice %arg9[%rem3A_187, %dma_start3A_224, %dma_start3A_225] : memref<2x128x80xf32, #tpu.memory_space<vmem>> -> memref<1x128x80xf32, #tpu.memory_space<vmem>>
          %dma_start3A_227 = tpu.memref_squeeze %dma_start3A_226 : memref<1x128x80xf32, #tpu.memory_space<vmem>> -> memref<128x80xf32, #tpu.memory_space<vmem>>
          %dma_start3A_228 = arith.constant 0 : i32
          %dma_start3A_229 = tpu.memref_slice %arg4[%select_n3A, %add3A_222, %dma_start3A_228] : memref<16x2048x80xf32, #tpu.memory_space<hbm>> -> memref<1x128x80xf32, #tpu.memory_space<hbm>>
          %dma_start3A_230 = tpu.memref_squeeze %dma_start3A_229 : memref<1x128x80xf32, #tpu.memory_space<hbm>> -> memref<128x80xf32, #tpu.memory_space<hbm>>
          %dma_start3A_231 = tpu.memref_slice %arg12[%rem3A_187, %dma_start3A_223] : memref<2x3x!tpu.dma_semaphore, #tpu.memory_space<semaphore_mem>> -> memref<1x1x!tpu.dma_semaphore, #tpu.memory_space<semaphore_mem>>
          %dma_start3A_232 = tpu.memref_squeeze %dma_start3A_231 : memref<1x1x!tpu.dma_semaphore, #tpu.memory_space<semaphore_mem>> -> memref<!tpu.dma_semaphore, #tpu.memory_space<semaphore_mem>>
          %dma_start3A_233 = arith.constant 0 : i32
          %dma_start3A_234 = arith.constant 0 : i32
          %dma_start3A_235 = tpu.memref_slice %arg9[%rem3A_187, %dma_start3A_233, %dma_start3A_234] : memref<2x128x80xf32, #tpu.memory_space<vmem>> -> memref<1x128x80xf32, #tpu.memory_space<vmem>>
          %dma_start3A_236 = tpu.memref_squeeze %dma_start3A_235 : memref<1x128x80xf32, #tpu.memory_space<vmem>> -> memref<128x80xf32, #tpu.memory_space<vmem>>
          %dma_start3A_237 = arith.constant 0 : i32
          %dma_start3A_238 = tpu.memref_slice %arg4[%select_n3A, %add3A_222, %dma_start3A_237] : memref<16x2048x80xf32, #tpu.memory_space<hbm>> -> memref<1x128x80xf32, #tpu.memory_space<hbm>>
          %dma_start3A_239 = tpu.memref_squeeze %dma_start3A_238 : memref<1x128x80xf32, #tpu.memory_space<hbm>> -> memref<128x80xf32, #tpu.memory_space<hbm>>
          tpu.enqueue_dma source(%dma_start3A_239 : memref<128x80xf32, #tpu.memory_space<hbm>>) target(%dma_start3A_236 : memref<128x80xf32, #tpu.memory_space<vmem>>) target_semaphore(%dma_start3A_232 : memref<!tpu.dma_semaphore, #tpu.memory_space<semaphore_mem>>)
          %mul3A_240 = arith.constant 128 : i32
          %mul3A_241 = arith.muli %add3A_185, %mul3A_240 : i32
          %add3A_242 = arith.addi %mul3A_32, %mul3A_241 : i32
          %dma_start3A_243 = arith.constant 2 : i32
          %dma_start3A_244 = arith.constant 0 : i32
          %dma_start3A_245 = arith.constant 0 : i32
          %dma_start3A_246 = tpu.memref_slice %arg10[%rem3A_187, %dma_start3A_244, %dma_start3A_245] : memref<2x128x80xf32, #tpu.memory_space<vmem>> -> memref<1x128x80xf32, #tpu.memory_space<vmem>>
          %dma_start3A_247 = tpu.memref_squeeze %dma_start3A_246 : memref<1x128x80xf32, #tpu.memory_space<vmem>> -> memref<128x80xf32, #tpu.memory_space<vmem>>
          %dma_start3A_248 = arith.constant 0 : i32
          %dma_start3A_249 = tpu.memref_slice %arg5[%select_n3A, %add3A_242, %dma_start3A_248] : memref<16x2048x80xf32, #tpu.memory_space<hbm>> -> memref<1x128x80xf32, #tpu.memory_space<hbm>>
          %dma_start3A_250 = tpu.memref_squeeze %dma_start3A_249 : memref<1x128x80xf32, #tpu.memory_space<hbm>> -> memref<128x80xf32, #tpu.memory_space<hbm>>
          %dma_start3A_251 = tpu.memref_slice %arg12[%rem3A_187, %dma_start3A_243] : memref<2x3x!tpu.dma_semaphore, #tpu.memory_space<semaphore_mem>> -> memref<1x1x!tpu.dma_semaphore, #tpu.memory_space<semaphore_mem>>
          %dma_start3A_252 = tpu.memref_squeeze %dma_start3A_251 : memref<1x1x!tpu.dma_semaphore, #tpu.memory_space<semaphore_mem>> -> memref<!tpu.dma_semaphore, #tpu.memory_space<semaphore_mem>>
          %dma_start3A_253 = arith.constant 0 : i32
          %dma_start3A_254 = arith.constant 0 : i32
          %dma_start3A_255 = tpu.memref_slice %arg10[%rem3A_187, %dma_start3A_253, %dma_start3A_254] : memref<2x128x80xf32, #tpu.memory_space<vmem>> -> memref<1x128x80xf32, #tpu.memory_space<vmem>>
          %dma_start3A_256 = tpu.memref_squeeze %dma_start3A_255 : memref<1x128x80xf32, #tpu.memory_space<vmem>> -> memref<128x80xf32, #tpu.memory_space<vmem>>
          %dma_start3A_257 = arith.constant 0 : i32
          %dma_start3A_258 = tpu.memref_slice %arg5[%select_n3A, %add3A_242, %dma_start3A_257] : memref<16x2048x80xf32, #tpu.memory_space<hbm>> -> memref<1x128x80xf32, #tpu.memory_space<hbm>>
          %dma_start3A_259 = tpu.memref_squeeze %dma_start3A_258 : memref<1x128x80xf32, #tpu.memory_space<hbm>> -> memref<128x80xf32, #tpu.memory_space<hbm>>
          tpu.enqueue_dma source(%dma_start3A_259 : memref<128x80xf32, #tpu.memory_space<hbm>>) target(%dma_start3A_256 : memref<128x80xf32, #tpu.memory_space<vmem>>) target_semaphore(%dma_start3A_252 : memref<!tpu.dma_semaphore, #tpu.memory_space<semaphore_mem>>)
        } else {
        }
      } else {
      }
      %rem3A_149 = arith.constant 2 : i32
      %rem3A_150 = arith.remsi %scan3A_131, %rem3A_149 : i32
      %mul3A_151 = arith.constant 128 : i32
      %mul3A_152 = arith.muli %scan3A_131, %mul3A_151 : i32
      %add3A_153 = arith.addi %mul3A_32, %mul3A_152 : i32
      %sub3A_154 = arith.subi %reduce_sum3A_40, %add3A_153 : i32
      %jit3A_155 = arith.constant 0 : i32
      %jit3A_156 = arith.constant 128 : i32
      %max3A_157 = arith.maxsi %jit3A_155, %sub3A_154 : i32
      %min3A_158 = arith.minsi %jit3A_156, %max3A_157 : i32
      %gt3A_159 = arith.constant 0 : i32
      %gt3A_160 = arith.cmpi sgt, %min3A_158, %gt3A_159 : i32
      %convert_element_type3A_161 = arith.extui %gt3A_160 : i1 to i32
      %cond3A_162 = arith.constant 0 : i32
      %cond3A_163 = arith.cmpi ne, %convert_element_type3A_161, %cond3A_162 : i32
      scf.if %cond3A_163 {
        %mul3A_184 = arith.constant 128 : i32
        %mul3A_185 = arith.muli %scan3A_131, %mul3A_184 : i32
        %add3A_186 = arith.addi %mul3A_32, %mul3A_185 : i32
        %dma_wait3A = arith.constant 0 : i32
        %dma_wait3A_187 = arith.constant 0 : i32
        %dma_wait3A_188 = arith.constant 0 : i32
        %dma_wait3A_189 = tpu.memref_slice %arg8[%rem3A_150, %dma_wait3A_187, %dma_wait3A_188] : memref<2x128x80xf32, #tpu.memory_space<vmem>> -> memref<1x128x80xf32, #tpu.memory_space<vmem>>
        %dma_wait3A_190 = tpu.memref_squeeze %dma_wait3A_189 : memref<1x128x80xf32, #tpu.memory_space<vmem>> -> memref<128x80xf32, #tpu.memory_space<vmem>>
        %dma_wait3A_191 = arith.constant 0 : i32
        %dma_wait3A_192 = tpu.memref_slice %arg3[%select_n3A, %add3A_186, %dma_wait3A_191] : memref<16x2048x80xf32, #tpu.memory_space<hbm>> -> memref<1x128x80xf32, #tpu.memory_space<hbm>>
        %dma_wait3A_193 = tpu.memref_squeeze %dma_wait3A_192 : memref<1x128x80xf32, #tpu.memory_space<hbm>> -> memref<128x80xf32, #tpu.memory_space<hbm>>
        %dma_wait3A_194 = tpu.memref_slice %arg12[%rem3A_150, %dma_wait3A] : memref<2x3x!tpu.dma_semaphore, #tpu.memory_space<semaphore_mem>> -> memref<1x1x!tpu.dma_semaphore, #tpu.memory_space<semaphore_mem>>
        %dma_wait3A_195 = tpu.memref_squeeze %dma_wait3A_194 : memref<1x1x!tpu.dma_semaphore, #tpu.memory_space<semaphore_mem>> -> memref<!tpu.dma_semaphore, #tpu.memory_space<semaphore_mem>>
        %dma_wait3A_196 = arith.constant 0 : i32
        %dma_wait3A_197 = arith.constant 0 : i32
        %dma_wait3A_198 = tpu.memref_slice %arg8[%rem3A_150, %dma_wait3A_196, %dma_wait3A_197] : memref<2x128x80xf32, #tpu.memory_space<vmem>> -> memref<1x128x80xf32, #tpu.memory_space<vmem>>
        %dma_wait3A_199 = tpu.memref_squeeze %dma_wait3A_198 : memref<1x128x80xf32, #tpu.memory_space<vmem>> -> memref<128x80xf32, #tpu.memory_space<vmem>>
        %dma_wait3A_200 = arith.constant 0 : i32
        %dma_wait3A_201 = tpu.memref_slice %arg3[%select_n3A, %add3A_186, %dma_wait3A_200] : memref<16x2048x80xf32, #tpu.memory_space<hbm>> -> memref<1x128x80xf32, #tpu.memory_space<hbm>>
        %dma_wait3A_202 = tpu.memref_squeeze %dma_wait3A_201 : memref<1x128x80xf32, #tpu.memory_space<hbm>> -> memref<128x80xf32, #tpu.memory_space<hbm>>
        tpu.wait_dma2 semaphore(%dma_wait3A_195 : memref<!tpu.dma_semaphore, #tpu.memory_space<semaphore_mem>>) src(%dma_wait3A_202 : memref<128x80xf32, #tpu.memory_space<hbm>>) dst(%dma_wait3A_199 : memref<128x80xf32, #tpu.memory_space<vmem>>)
        %mul3A_203 = arith.constant 128 : i32
        %mul3A_204 = arith.muli %scan3A_131, %mul3A_203 : i32
        %add3A_205 = arith.addi %mul3A_32, %mul3A_204 : i32
        %dma_wait3A_206 = arith.constant 1 : i32
        %dma_wait3A_207 = arith.constant 0 : i32
        %dma_wait3A_208 = arith.constant 0 : i32
        %dma_wait3A_209 = tpu.memref_slice %arg9[%rem3A_150, %dma_wait3A_207, %dma_wait3A_208] : memref<2x128x80xf32, #tpu.memory_space<vmem>> -> memref<1x128x80xf32, #tpu.memory_space<vmem>>
        %dma_wait3A_210 = tpu.memref_squeeze %dma_wait3A_209 : memref<1x128x80xf32, #tpu.memory_space<vmem>> -> memref<128x80xf32, #tpu.memory_space<vmem>>
        %dma_wait3A_211 = arith.constant 0 : i32
        %dma_wait3A_212 = tpu.memref_slice %arg4[%select_n3A, %add3A_205, %dma_wait3A_211] : memref<16x2048x80xf32, #tpu.memory_space<hbm>> -> memref<1x128x80xf32, #tpu.memory_space<hbm>>
        %dma_wait3A_213 = tpu.memref_squeeze %dma_wait3A_212 : memref<1x128x80xf32, #tpu.memory_space<hbm>> -> memref<128x80xf32, #tpu.memory_space<hbm>>
        %dma_wait3A_214 = tpu.memref_slice %arg12[%rem3A_150, %dma_wait3A_206] : memref<2x3x!tpu.dma_semaphore, #tpu.memory_space<semaphore_mem>> -> memref<1x1x!tpu.dma_semaphore, #tpu.memory_space<semaphore_mem>>
        %dma_wait3A_215 = tpu.memref_squeeze %dma_wait3A_214 : memref<1x1x!tpu.dma_semaphore, #tpu.memory_space<semaphore_mem>> -> memref<!tpu.dma_semaphore, #tpu.memory_space<semaphore_mem>>
        %dma_wait3A_216 = arith.constant 0 : i32
        %dma_wait3A_217 = arith.constant 0 : i32
        %dma_wait3A_218 = tpu.memref_slice %arg9[%rem3A_150, %dma_wait3A_216, %dma_wait3A_217] : memref<2x128x80xf32, #tpu.memory_space<vmem>> -> memref<1x128x80xf32, #tpu.memory_space<vmem>>
        %dma_wait3A_219 = tpu.memref_squeeze %dma_wait3A_218 : memref<1x128x80xf32, #tpu.memory_space<vmem>> -> memref<128x80xf32, #tpu.memory_space<vmem>>
        %dma_wait3A_220 = arith.constant 0 : i32
        %dma_wait3A_221 = tpu.memref_slice %arg4[%select_n3A, %add3A_205, %dma_wait3A_220] : memref<16x2048x80xf32, #tpu.memory_space<hbm>> -> memref<1x128x80xf32, #tpu.memory_space<hbm>>
        %dma_wait3A_222 = tpu.memref_squeeze %dma_wait3A_221 : memref<1x128x80xf32, #tpu.memory_space<hbm>> -> memref<128x80xf32, #tpu.memory_space<hbm>>
        tpu.wait_dma2 semaphore(%dma_wait3A_215 : memref<!tpu.dma_semaphore, #tpu.memory_space<semaphore_mem>>) src(%dma_wait3A_222 : memref<128x80xf32, #tpu.memory_space<hbm>>) dst(%dma_wait3A_219 : memref<128x80xf32, #tpu.memory_space<vmem>>)
        %mul3A_223 = arith.constant 128 : i32
        %mul3A_224 = arith.muli %scan3A_131, %mul3A_223 : i32
        %add3A_225 = arith.addi %mul3A_32, %mul3A_224 : i32
        %dma_wait3A_226 = arith.constant 2 : i32
        %dma_wait3A_227 = arith.constant 0 : i32
        %dma_wait3A_228 = arith.constant 0 : i32
        %dma_wait3A_229 = tpu.memref_slice %arg10[%rem3A_150, %dma_wait3A_227, %dma_wait3A_228] : memref<2x128x80xf32, #tpu.memory_space<vmem>> -> memref<1x128x80xf32, #tpu.memory_space<vmem>>
        %dma_wait3A_230 = tpu.memref_squeeze %dma_wait3A_229 : memref<1x128x80xf32, #tpu.memory_space<vmem>> -> memref<128x80xf32, #tpu.memory_space<vmem>>
        %dma_wait3A_231 = arith.constant 0 : i32
        %dma_wait3A_232 = tpu.memref_slice %arg5[%select_n3A, %add3A_225, %dma_wait3A_231] : memref<16x2048x80xf32, #tpu.memory_space<hbm>> -> memref<1x128x80xf32, #tpu.memory_space<hbm>>
        %dma_wait3A_233 = tpu.memref_squeeze %dma_wait3A_232 : memref<1x128x80xf32, #tpu.memory_space<hbm>> -> memref<128x80xf32, #tpu.memory_space<hbm>>
        %dma_wait3A_234 = tpu.memref_slice %arg12[%rem3A_150, %dma_wait3A_226] : memref<2x3x!tpu.dma_semaphore, #tpu.memory_space<semaphore_mem>> -> memref<1x1x!tpu.dma_semaphore, #tpu.memory_space<semaphore_mem>>
        %dma_wait3A_235 = tpu.memref_squeeze %dma_wait3A_234 : memref<1x1x!tpu.dma_semaphore, #tpu.memory_space<semaphore_mem>> -> memref<!tpu.dma_semaphore, #tpu.memory_space<semaphore_mem>>
        %dma_wait3A_236 = arith.constant 0 : i32
        %dma_wait3A_237 = arith.constant 0 : i32
        %dma_wait3A_238 = tpu.memref_slice %arg10[%rem3A_150, %dma_wait3A_236, %dma_wait3A_237] : memref<2x128x80xf32, #tpu.memory_space<vmem>> -> memref<1x128x80xf32, #tpu.memory_space<vmem>>
        %dma_wait3A_239 = tpu.memref_squeeze %dma_wait3A_238 : memref<1x128x80xf32, #tpu.memory_space<vmem>> -> memref<128x80xf32, #tpu.memory_space<vmem>>
        %dma_wait3A_240 = arith.constant 0 : i32
        %dma_wait3A_241 = tpu.memref_slice %arg5[%select_n3A, %add3A_225, %dma_wait3A_240] : memref<16x2048x80xf32, #tpu.memory_space<hbm>> -> memref<1x128x80xf32, #tpu.memory_space<hbm>>
        %dma_wait3A_242 = tpu.memref_squeeze %dma_wait3A_241 : memref<1x128x80xf32, #tpu.memory_space<hbm>> -> memref<128x80xf32, #tpu.memory_space<hbm>>
        tpu.wait_dma2 semaphore(%dma_wait3A_235 : memref<!tpu.dma_semaphore, #tpu.memory_space<semaphore_mem>>) src(%dma_wait3A_242 : memref<128x80xf32, #tpu.memory_space<hbm>>) dst(%dma_wait3A_239 : memref<128x80xf32, #tpu.memory_space<vmem>>)
      } else {
      }
      %rem3A_164 = arith.constant 2 : i32
      %rem3A_165 = arith.remsi %scan3A_131, %rem3A_164 : i32
      %mul3A_166 = arith.constant 128 : i32
      %mul3A_167 = arith.muli %scan3A_131, %mul3A_166 : i32
      %add3A_168 = arith.addi %mul3A_32, %mul3A_167 : i32
      %sub3A_169 = arith.subi %reduce_sum3A_40, %add3A_168 : i32
      %jit3A_170 = arith.constant 0 : i32
      %jit3A_171 = arith.constant 128 : i32
      %max3A_172 = arith.maxsi %jit3A_170, %sub3A_169 : i32
      %min3A_173 = arith.minsi %jit3A_171, %max3A_172 : i32
      %while3A = arith.constant 0 : i32
      %while3A_174 = arith.subi %min3A_173, %while3A : i32
      %while3A_175 = arith.addi %while3A, %while3A_174 : i32
      %while3A_176 = arith.constant 1 : i32
      %while3A_177 = arith.divsi %while3A_174, %while3A_176 : i32
      %while3A_178 = arith.muli %while3A_177, %while3A_176 : i32
      %while3A_179 = arith.addi %while3A, %while3A_178 : i32
      %while3A_180 = arith.constant 1 : i32
      %while3A_181:10 = scf.for %while3A_184 = %while3A to %while3A_179 step %while3A_180 iter_args(%while3A_185 = %scan3A_132, %while3A_186 = %scan3A_133, %while3A_187 = %scan3A_134, %while3A_188 = %scan3A_135, %while3A_189 = %scan3A_136, %while3A_190 = %scan3A_137, %while3A_191 = %scan3A_138, %while3A_192 = %scan3A_139, %while3A_193 = %scan3A_140, %while3A_194 = %scan3A_141) -> (vector<16xf32>, vector<16xf32>, vector<16xf32>, vector<16xf32>, vector<16xf32>, vector<16xf32>, vector<16xf32>, vector<16xf32>, vector<16xf32>, vector<16xf32>)  : i32 {
        %get3A_195 = arith.index_cast %rem3A_165 : i32 to index
        %get3A_196 = arith.index_cast %while3A_184 : i32 to index
        %get3A_197 = arith.constant 0 : index
        %get3A_198 = tpu.vector_load %arg10[%get3A_195, %get3A_196, %get3A_197] {strides = array<i32>} : memref<2x128x80xf32, #tpu.memory_space<vmem>>, vector<16xf32>,
        %get3A_199 = arith.index_cast %rem3A_165 : i32 to index
        %get3A_200 = arith.index_cast %while3A_184 : i32 to index
        %get3A_201 = arith.constant 0 : index
        %get3A_202 = tpu.vector_load %arg8[%get3A_199, %get3A_200, %get3A_201] {strides = array<i32>} : memref<2x128x80xf32, #tpu.memory_space<vmem>>, vector<16xf32>,
        %sub3A_203 = arith.subf %get3A_202, %get3A_198 : vector<16xf32>
        %get3A_204 = arith.index_cast %rem3A_165 : i32 to index
        %get3A_205 = arith.index_cast %while3A_184 : i32 to index
        %get3A_206 = arith.constant 0 : index
        %get3A_207 = tpu.vector_load %arg9[%get3A_204, %get3A_205, %get3A_206] {strides = array<i32>} : memref<2x128x80xf32, #tpu.memory_space<vmem>>, vector<16xf32>,
        %sub3A_208 = arith.subf %get3A_207, %get3A_198 : vector<16xf32>
        %mul3A_209 = arith.mulf %sub3A_203, %sub3A_203 : vector<16xf32>
        %add3A_210 = arith.addf %while3A_185, %mul3A_209 : vector<16xf32>
        %mul3A_211 = arith.mulf %sub3A_208, %sub3A_208 : vector<16xf32>
        %add3A_212 = arith.addf %while3A_190, %mul3A_211 : vector<16xf32>
        %get3A_213 = arith.index_cast %rem3A_165 : i32 to index
        %get3A_214 = arith.index_cast %while3A_184 : i32 to index
        %get3A_215 = arith.constant 16 : index
        %get3A_216 = tpu.vector_load %arg10[%get3A_213, %get3A_214, %get3A_215] {strides = array<i32>} : memref<2x128x80xf32, #tpu.memory_space<vmem>>, vector<16xf32>,
        %get3A_217 = arith.index_cast %rem3A_165 : i32 to index
        %get3A_218 = arith.index_cast %while3A_184 : i32 to index
        %get3A_219 = arith.constant 16 : index
        %get3A_220 = tpu.vector_load %arg8[%get3A_217, %get3A_218, %get3A_219] {strides = array<i32>} : memref<2x128x80xf32, #tpu.memory_space<vmem>>, vector<16xf32>,
        %sub3A_221 = arith.subf %get3A_220, %get3A_216 : vector<16xf32>
        %get3A_222 = arith.index_cast %rem3A_165 : i32 to index
        %get3A_223 = arith.index_cast %while3A_184 : i32 to index
        %get3A_224 = arith.constant 16 : index
        %get3A_225 = tpu.vector_load %arg9[%get3A_222, %get3A_223, %get3A_224] {strides = array<i32>} : memref<2x128x80xf32, #tpu.memory_space<vmem>>, vector<16xf32>,
        %sub3A_226 = arith.subf %get3A_225, %get3A_216 : vector<16xf32>
        %mul3A_227 = arith.mulf %sub3A_221, %sub3A_221 : vector<16xf32>
        %add3A_228 = arith.addf %while3A_186, %mul3A_227 : vector<16xf32>
        %mul3A_229 = arith.mulf %sub3A_226, %sub3A_226 : vector<16xf32>
        %add3A_230 = arith.addf %while3A_191, %mul3A_229 : vector<16xf32>
        %get3A_231 = arith.index_cast %rem3A_165 : i32 to index
        %get3A_232 = arith.index_cast %while3A_184 : i32 to index
        %get3A_233 = arith.constant 32 : index
        %get3A_234 = tpu.vector_load %arg10[%get3A_231, %get3A_232, %get3A_233] {strides = array<i32>} : memref<2x128x80xf32, #tpu.memory_space<vmem>>, vector<16xf32>,
        %get3A_235 = arith.index_cast %rem3A_165 : i32 to index
        %get3A_236 = arith.index_cast %while3A_184 : i32 to index
        %get3A_237 = arith.constant 32 : index
        %get3A_238 = tpu.vector_load %arg8[%get3A_235, %get3A_236, %get3A_237] {strides = array<i32>} : memref<2x128x80xf32, #tpu.memory_space<vmem>>, vector<16xf32>,
        %sub3A_239 = arith.subf %get3A_238, %get3A_234 : vector<16xf32>
        %get3A_240 = arith.index_cast %rem3A_165 : i32 to index
        %get3A_241 = arith.index_cast %while3A_184 : i32 to index
        %get3A_242 = arith.constant 32 : index
        %get3A_243 = tpu.vector_load %arg9[%get3A_240, %get3A_241, %get3A_242] {strides = array<i32>} : memref<2x128x80xf32, #tpu.memory_space<vmem>>, vector<16xf32>,
        %sub3A_244 = arith.subf %get3A_243, %get3A_234 : vector<16xf32>
        %mul3A_245 = arith.mulf %sub3A_239, %sub3A_239 : vector<16xf32>
        %add3A_246 = arith.addf %while3A_187, %mul3A_245 : vector<16xf32>
        %mul3A_247 = arith.mulf %sub3A_244, %sub3A_244 : vector<16xf32>
        %add3A_248 = arith.addf %while3A_192, %mul3A_247 : vector<16xf32>
        %get3A_249 = arith.index_cast %rem3A_165 : i32 to index
        %get3A_250 = arith.index_cast %while3A_184 : i32 to index
        %get3A_251 = arith.constant 48 : index
        %get3A_252 = tpu.vector_load %arg10[%get3A_249, %get3A_250, %get3A_251] {strides = array<i32>} : memref<2x128x80xf32, #tpu.memory_space<vmem>>, vector<16xf32>,
        %get3A_253 = arith.index_cast %rem3A_165 : i32 to index
        %get3A_254 = arith.index_cast %while3A_184 : i32 to index
        %get3A_255 = arith.constant 48 : index
        %get3A_256 = tpu.vector_load %arg8[%get3A_253, %get3A_254, %get3A_255] {strides = array<i32>} : memref<2x128x80xf32, #tpu.memory_space<vmem>>, vector<16xf32>,
        %sub3A_257 = arith.subf %get3A_256, %get3A_252 : vector<16xf32>
        %get3A_258 = arith.index_cast %rem3A_165 : i32 to index
        %get3A_259 = arith.index_cast %while3A_184 : i32 to index
        %get3A_260 = arith.constant 48 : index
        %get3A_261 = tpu.vector_load %arg9[%get3A_258, %get3A_259, %get3A_260] {strides = array<i32>} : memref<2x128x80xf32, #tpu.memory_space<vmem>>, vector<16xf32>,
        %sub3A_262 = arith.subf %get3A_261, %get3A_252 : vector<16xf32>
        %mul3A_263 = arith.mulf %sub3A_257, %sub3A_257 : vector<16xf32>
        %add3A_264 = arith.addf %while3A_188, %mul3A_263 : vector<16xf32>
        %mul3A_265 = arith.mulf %sub3A_262, %sub3A_262 : vector<16xf32>
        %add3A_266 = arith.addf %while3A_193, %mul3A_265 : vector<16xf32>
        %get3A_267 = arith.index_cast %rem3A_165 : i32 to index
        %get3A_268 = arith.index_cast %while3A_184 : i32 to index
        %get3A_269 = arith.constant 64 : index
        %get3A_270 = tpu.vector_load %arg10[%get3A_267, %get3A_268, %get3A_269] {strides = array<i32>} : memref<2x128x80xf32, #tpu.memory_space<vmem>>, vector<16xf32>,
        %get3A_271 = arith.index_cast %rem3A_165 : i32 to index
        %get3A_272 = arith.index_cast %while3A_184 : i32 to index
        %get3A_273 = arith.constant 64 : index
        %get3A_274 = tpu.vector_load %arg8[%get3A_271, %get3A_272, %get3A_273] {strides = array<i32>} : memref<2x128x80xf32, #tpu.memory_space<vmem>>, vector<16xf32>,
        %sub3A_275 = arith.subf %get3A_274, %get3A_270 : vector<16xf32>
        %get3A_276 = arith.index_cast %rem3A_165 : i32 to index
        %get3A_277 = arith.index_cast %while3A_184 : i32 to index
        %get3A_278 = arith.constant 64 : index
        %get3A_279 = tpu.vector_load %arg9[%get3A_276, %get3A_277, %get3A_278] {strides = array<i32>} : memref<2x128x80xf32, #tpu.memory_space<vmem>>, vector<16xf32>,
        %sub3A_280 = arith.subf %get3A_279, %get3A_270 : vector<16xf32>
        %mul3A_281 = arith.mulf %sub3A_275, %sub3A_275 : vector<16xf32>
        %add3A_282 = arith.addf %while3A_189, %mul3A_281 : vector<16xf32>
        %mul3A_283 = arith.mulf %sub3A_280, %sub3A_280 : vector<16xf32>
        %add3A_284 = arith.addf %while3A_194, %mul3A_283 : vector<16xf32>
        scf.yield %add3A_210, %add3A_228, %add3A_246, %add3A_264, %add3A_282, %add3A_212, %add3A_230, %add3A_248, %add3A_266, %add3A_284 : vector<16xf32>, vector<16xf32>, vector<16xf32>, vector<16xf32>, vector<16xf32>, vector<16xf32>, vector<16xf32>, vector<16xf32>, vector<16xf32>, vector<16xf32>
      }
      %while3A_182 = arith.constant 1 : i32
      %while3A_183:10 = scf.for %while3A_184 = %while3A_179 to %while3A_175 step %while3A_182 iter_args(%while3A_185 = %while3A_181#0, %while3A_186 = %while3A_181#1, %while3A_187 = %while3A_181#2, %while3A_188 = %while3A_181#3, %while3A_189 = %while3A_181#4, %while3A_190 = %while3A_181#5, %while3A_191 = %while3A_181#6, %while3A_192 = %while3A_181#7, %while3A_193 = %while3A_181#8, %while3A_194 = %while3A_181#9) -> (vector<16xf32>, vector<16xf32>, vector<16xf32>, vector<16xf32>, vector<16xf32>, vector<16xf32>, vector<16xf32>, vector<16xf32>, vector<16xf32>, vector<16xf32>)  : i32 {
        %get3A_195 = arith.index_cast %rem3A_165 : i32 to index
        %get3A_196 = arith.index_cast %while3A_184 : i32 to index
        %get3A_197 = arith.constant 0 : index
        %get3A_198 = tpu.vector_load %arg10[%get3A_195, %get3A_196, %get3A_197] {strides = array<i32>} : memref<2x128x80xf32, #tpu.memory_space<vmem>>, vector<16xf32>,
        %get3A_199 = arith.index_cast %rem3A_165 : i32 to index
        %get3A_200 = arith.index_cast %while3A_184 : i32 to index
        %get3A_201 = arith.constant 0 : index
        %get3A_202 = tpu.vector_load %arg8[%get3A_199, %get3A_200, %get3A_201] {strides = array<i32>} : memref<2x128x80xf32, #tpu.memory_space<vmem>>, vector<16xf32>,
        %sub3A_203 = arith.subf %get3A_202, %get3A_198 : vector<16xf32>
        %get3A_204 = arith.index_cast %rem3A_165 : i32 to index
        %get3A_205 = arith.index_cast %while3A_184 : i32 to index
        %get3A_206 = arith.constant 0 : index
        %get3A_207 = tpu.vector_load %arg9[%get3A_204, %get3A_205, %get3A_206] {strides = array<i32>} : memref<2x128x80xf32, #tpu.memory_space<vmem>>, vector<16xf32>,
        %sub3A_208 = arith.subf %get3A_207, %get3A_198 : vector<16xf32>
        %mul3A_209 = arith.mulf %sub3A_203, %sub3A_203 : vector<16xf32>
        %add3A_210 = arith.addf %while3A_185, %mul3A_209 : vector<16xf32>
        %mul3A_211 = arith.mulf %sub3A_208, %sub3A_208 : vector<16xf32>
        %add3A_212 = arith.addf %while3A_190, %mul3A_211 : vector<16xf32>
        %get3A_213 = arith.index_cast %rem3A_165 : i32 to index
        %get3A_214 = arith.index_cast %while3A_184 : i32 to index
        %get3A_215 = arith.constant 16 : index
        %get3A_216 = tpu.vector_load %arg10[%get3A_213, %get3A_214, %get3A_215] {strides = array<i32>} : memref<2x128x80xf32, #tpu.memory_space<vmem>>, vector<16xf32>,
        %get3A_217 = arith.index_cast %rem3A_165 : i32 to index
        %get3A_218 = arith.index_cast %while3A_184 : i32 to index
        %get3A_219 = arith.constant 16 : index
        %get3A_220 = tpu.vector_load %arg8[%get3A_217, %get3A_218, %get3A_219] {strides = array<i32>} : memref<2x128x80xf32, #tpu.memory_space<vmem>>, vector<16xf32>,
        %sub3A_221 = arith.subf %get3A_220, %get3A_216 : vector<16xf32>
        %get3A_222 = arith.index_cast %rem3A_165 : i32 to index
        %get3A_223 = arith.index_cast %while3A_184 : i32 to index
        %get3A_224 = arith.constant 16 : index
        %get3A_225 = tpu.vector_load %arg9[%get3A_222, %get3A_223, %get3A_224] {strides = array<i32>} : memref<2x128x80xf32, #tpu.memory_space<vmem>>, vector<16xf32>,
        %sub3A_226 = arith.subf %get3A_225, %get3A_216 : vector<16xf32>
        %mul3A_227 = arith.mulf %sub3A_221, %sub3A_221 : vector<16xf32>
        %add3A_228 = arith.addf %while3A_186, %mul3A_227 : vector<16xf32>
        %mul3A_229 = arith.mulf %sub3A_226, %sub3A_226 : vector<16xf32>
        %add3A_230 = arith.addf %while3A_191, %mul3A_229 : vector<16xf32>
        %get3A_231 = arith.index_cast %rem3A_165 : i32 to index
        %get3A_232 = arith.index_cast %while3A_184 : i32 to index
        %get3A_233 = arith.constant 32 : index
        %get3A_234 = tpu.vector_load %arg10[%get3A_231, %get3A_232, %get3A_233] {strides = array<i32>} : memref<2x128x80xf32, #tpu.memory_space<vmem>>, vector<16xf32>,
        %get3A_235 = arith.index_cast %rem3A_165 : i32 to index
        %get3A_236 = arith.index_cast %while3A_184 : i32 to index
        %get3A_237 = arith.constant 32 : index
        %get3A_238 = tpu.vector_load %arg8[%get3A_235, %get3A_236, %get3A_237] {strides = array<i32>} : memref<2x128x80xf32, #tpu.memory_space<vmem>>, vector<16xf32>,
        %sub3A_239 = arith.subf %get3A_238, %get3A_234 : vector<16xf32>
        %get3A_240 = arith.index_cast %rem3A_165 : i32 to index
        %get3A_241 = arith.index_cast %while3A_184 : i32 to index
        %get3A_242 = arith.constant 32 : index
        %get3A_243 = tpu.vector_load %arg9[%get3A_240, %get3A_241, %get3A_242] {strides = array<i32>} : memref<2x128x80xf32, #tpu.memory_space<vmem>>, vector<16xf32>,
        %sub3A_244 = arith.subf %get3A_243, %get3A_234 : vector<16xf32>
        %mul3A_245 = arith.mulf %sub3A_239, %sub3A_239 : vector<16xf32>
        %add3A_246 = arith.addf %while3A_187, %mul3A_245 : vector<16xf32>
        %mul3A_247 = arith.mulf %sub3A_244, %sub3A_244 : vector<16xf32>
        %add3A_248 = arith.addf %while3A_192, %mul3A_247 : vector<16xf32>
        %get3A_249 = arith.index_cast %rem3A_165 : i32 to index
        %get3A_250 = arith.index_cast %while3A_184 : i32 to index
        %get3A_251 = arith.constant 48 : index
        %get3A_252 = tpu.vector_load %arg10[%get3A_249, %get3A_250, %get3A_251] {strides = array<i32>} : memref<2x128x80xf32, #tpu.memory_space<vmem>>, vector<16xf32>,
        %get3A_253 = arith.index_cast %rem3A_165 : i32 to index
        %get3A_254 = arith.index_cast %while3A_184 : i32 to index
        %get3A_255 = arith.constant 48 : index
        %get3A_256 = tpu.vector_load %arg8[%get3A_253, %get3A_254, %get3A_255] {strides = array<i32>} : memref<2x128x80xf32, #tpu.memory_space<vmem>>, vector<16xf32>,
        %sub3A_257 = arith.subf %get3A_256, %get3A_252 : vector<16xf32>
        %get3A_258 = arith.index_cast %rem3A_165 : i32 to index
        %get3A_259 = arith.index_cast %while3A_184 : i32 to index
        %get3A_260 = arith.constant 48 : index
        %get3A_261 = tpu.vector_load %arg9[%get3A_258, %get3A_259, %get3A_260] {strides = array<i32>} : memref<2x128x80xf32, #tpu.memory_space<vmem>>, vector<16xf32>,
        %sub3A_262 = arith.subf %get3A_261, %get3A_252 : vector<16xf32>
        %mul3A_263 = arith.mulf %sub3A_257, %sub3A_257 : vector<16xf32>
        %add3A_264 = arith.addf %while3A_188, %mul3A_263 : vector<16xf32>
        %mul3A_265 = arith.mulf %sub3A_262, %sub3A_262 : vector<16xf32>
        %add3A_266 = arith.addf %while3A_193, %mul3A_265 : vector<16xf32>
        %get3A_267 = arith.index_cast %rem3A_165 : i32 to index
        %get3A_268 = arith.index_cast %while3A_184 : i32 to index
        %get3A_269 = arith.constant 64 : index
        %get3A_270 = tpu.vector_load %arg10[%get3A_267, %get3A_268, %get3A_269] {strides = array<i32>} : memref<2x128x80xf32, #tpu.memory_space<vmem>>, vector<16xf32>,
        %get3A_271 = arith.index_cast %rem3A_165 : i32 to index
        %get3A_272 = arith.index_cast %while3A_184 : i32 to index
        %get3A_273 = arith.constant 64 : index
        %get3A_274 = tpu.vector_load %arg8[%get3A_271, %get3A_272, %get3A_273] {strides = array<i32>} : memref<2x128x80xf32, #tpu.memory_space<vmem>>, vector<16xf32>,
        %sub3A_275 = arith.subf %get3A_274, %get3A_270 : vector<16xf32>
        %get3A_276 = arith.index_cast %rem3A_165 : i32 to index
        %get3A_277 = arith.index_cast %while3A_184 : i32 to index
        %get3A_278 = arith.constant 64 : index
        %get3A_279 = tpu.vector_load %arg9[%get3A_276, %get3A_277, %get3A_278] {strides = array<i32>} : memref<2x128x80xf32, #tpu.memory_space<vmem>>, vector<16xf32>,
        %sub3A_280 = arith.subf %get3A_279, %get3A_270 : vector<16xf32>
        %mul3A_281 = arith.mulf %sub3A_275, %sub3A_275 : vector<16xf32>
        %add3A_282 = arith.addf %while3A_189, %mul3A_281 : vector<16xf32>
        %mul3A_283 = arith.mulf %sub3A_280, %sub3A_280 : vector<16xf32>
        %add3A_284 = arith.addf %while3A_194, %mul3A_283 : vector<16xf32>
        scf.yield %add3A_210, %add3A_228, %add3A_246, %add3A_264, %add3A_282, %add3A_212, %add3A_230, %add3A_248, %add3A_266, %add3A_284 : vector<16xf32>, vector<16xf32>, vector<16xf32>, vector<16xf32>, vector<16xf32>, vector<16xf32>, vector<16xf32>, vector<16xf32>, vector<16xf32>, vector<16xf32>
      }
      scf.yield %while3A_183#0, %while3A_183#1, %while3A_183#2, %while3A_183#3, %while3A_183#4, %while3A_183#5, %while3A_183#6, %while3A_183#7, %while3A_183#8, %while3A_183#9 : vector<16xf32>, vector<16xf32>, vector<16xf32>, vector<16xf32>, vector<16xf32>, vector<16xf32>, vector<16xf32>, vector<16xf32>, vector<16xf32>, vector<16xf32>
    }
    %scan3A_65 = arith.constant 8 : i32
    %swap3A = arith.constant 0 : i32
    %swap3A_66 = arith.index_cast %swap3A : i32 to index
    %swap3A_67 = arith.constant 0 : index
    %swap3A_68 = tpu.vector_load %arg11[%swap3A_66, %swap3A_67] {strides = array<i32>} : memref<16x16xf32, #tpu.memory_space<vmem>>, vector<16xf32>,
    tpu.vector_store %arg11[%swap3A_66, %swap3A_67], %scan3A_64#0 {strides = array<i32>} : memref<16x16xf32, #tpu.memory_space<vmem>>, vector<16xf32>,
    %swap3A_69 = arith.constant 5 : i32
    %swap3A_70 = arith.index_cast %swap3A_69 : i32 to index
    %swap3A_71 = arith.constant 0 : index
    %swap3A_72 = tpu.vector_load %arg11[%swap3A_70, %swap3A_71] {strides = array<i32>} : memref<16x16xf32, #tpu.memory_space<vmem>>, vector<16xf32>,
    tpu.vector_store %arg11[%swap3A_70, %swap3A_71], %scan3A_64#5 {strides = array<i32>} : memref<16x16xf32, #tpu.memory_space<vmem>>, vector<16xf32>,
    %swap3A_73 = arith.constant 1 : i32
    %swap3A_74 = arith.index_cast %swap3A_73 : i32 to index
    %swap3A_75 = arith.constant 0 : index
    %swap3A_76 = tpu.vector_load %arg11[%swap3A_74, %swap3A_75] {strides = array<i32>} : memref<16x16xf32, #tpu.memory_space<vmem>>, vector<16xf32>,
    tpu.vector_store %arg11[%swap3A_74, %swap3A_75], %scan3A_64#1 {strides = array<i32>} : memref<16x16xf32, #tpu.memory_space<vmem>>, vector<16xf32>,
    %swap3A_77 = arith.constant 6 : i32
    %swap3A_78 = arith.index_cast %swap3A_77 : i32 to index
    %swap3A_79 = arith.constant 0 : index
    %swap3A_80 = tpu.vector_load %arg11[%swap3A_78, %swap3A_79] {strides = array<i32>} : memref<16x16xf32, #tpu.memory_space<vmem>>, vector<16xf32>,
    tpu.vector_store %arg11[%swap3A_78, %swap3A_79], %scan3A_64#6 {strides = array<i32>} : memref<16x16xf32, #tpu.memory_space<vmem>>, vector<16xf32>,
    %swap3A_81 = arith.constant 2 : i32
    %swap3A_82 = arith.index_cast %swap3A_81 : i32 to index
    %swap3A_83 = arith.constant 0 : index
    %swap3A_84 = tpu.vector_load %arg11[%swap3A_82, %swap3A_83] {strides = array<i32>} : memref<16x16xf32, #tpu.memory_space<vmem>>, vector<16xf32>,
    tpu.vector_store %arg11[%swap3A_82, %swap3A_83], %scan3A_64#2 {strides = array<i32>} : memref<16x16xf32, #tpu.memory_space<vmem>>, vector<16xf32>,
    %swap3A_85 = arith.constant 7 : i32
    %swap3A_86 = arith.index_cast %swap3A_85 : i32 to index
    %swap3A_87 = arith.constant 0 : index
    %swap3A_88 = tpu.vector_load %arg11[%swap3A_86, %swap3A_87] {strides = array<i32>} : memref<16x16xf32, #tpu.memory_space<vmem>>, vector<16xf32>,
    tpu.vector_store %arg11[%swap3A_86, %swap3A_87], %scan3A_64#7 {strides = array<i32>} : memref<16x16xf32, #tpu.memory_space<vmem>>, vector<16xf32>,
    %swap3A_89 = arith.constant 3 : i32
    %swap3A_90 = arith.index_cast %swap3A_89 : i32 to index
    %swap3A_91 = arith.constant 0 : index
    %swap3A_92 = tpu.vector_load %arg11[%swap3A_90, %swap3A_91] {strides = array<i32>} : memref<16x16xf32, #tpu.memory_space<vmem>>, vector<16xf32>,
    tpu.vector_store %arg11[%swap3A_90, %swap3A_91], %scan3A_64#3 {strides = array<i32>} : memref<16x16xf32, #tpu.memory_space<vmem>>, vector<16xf32>,
    %swap3A_93 = arith.constant 8 : i32
    %swap3A_94 = arith.index_cast %swap3A_93 : i32 to index
    %swap3A_95 = arith.constant 0 : index
    %swap3A_96 = tpu.vector_load %arg11[%swap3A_94, %swap3A_95] {strides = array<i32>} : memref<16x16xf32, #tpu.memory_space<vmem>>, vector<16xf32>,
    tpu.vector_store %arg11[%swap3A_94, %swap3A_95], %scan3A_64#8 {strides = array<i32>} : memref<16x16xf32, #tpu.memory_space<vmem>>, vector<16xf32>,
    %swap3A_97 = arith.constant 4 : i32
    %swap3A_98 = arith.index_cast %swap3A_97 : i32 to index
    %swap3A_99 = arith.constant 0 : index
    %swap3A_100 = tpu.vector_load %arg11[%swap3A_98, %swap3A_99] {strides = array<i32>} : memref<16x16xf32, #tpu.memory_space<vmem>>, vector<16xf32>,
    tpu.vector_store %arg11[%swap3A_98, %swap3A_99], %scan3A_64#4 {strides = array<i32>} : memref<16x16xf32, #tpu.memory_space<vmem>>, vector<16xf32>,
    %swap3A_101 = arith.constant 9 : i32
    %swap3A_102 = arith.index_cast %swap3A_101 : i32 to index
    %swap3A_103 = arith.constant 0 : index
    %swap3A_104 = tpu.vector_load %arg11[%swap3A_102, %swap3A_103] {strides = array<i32>} : memref<16x16xf32, #tpu.memory_space<vmem>>, vector<16xf32>,
    tpu.vector_store %arg11[%swap3A_102, %swap3A_103], %scan3A_64#9 {strides = array<i32>} : memref<16x16xf32, #tpu.memory_space<vmem>>, vector<16xf32>,
    %broadcast_in_dim3A_105 = arith.constant 0.000000e+00 : f32
    %broadcast_in_dim3A_106 = vector.broadcast %broadcast_in_dim3A_105 : f32 to vector<16xf32>
    %swap3A_107 = arith.constant 10 : i32
    %swap3A_108 = arith.index_cast %swap3A_107 : i32 to index
    %swap3A_109 = arith.constant 0 : index
    %swap3A_110 = tpu.vector_load %arg11[%swap3A_108, %swap3A_109] {strides = array<i32>} : memref<16x16xf32, #tpu.memory_space<vmem>>, vector<16xf32>,
    tpu.vector_store %arg11[%swap3A_108, %swap3A_109], %broadcast_in_dim3A_106 {strides = array<i32>} : memref<16x16xf32, #tpu.memory_space<vmem>>, vector<16xf32>,
    %swap3A_111 = arith.constant 11 : i32
    %swap3A_112 = arith.index_cast %swap3A_111 : i32 to index
    %swap3A_113 = arith.constant 0 : index
    %swap3A_114 = tpu.vector_load %arg11[%swap3A_112, %swap3A_113] {strides = array<i32>} : memref<16x16xf32, #tpu.memory_space<vmem>>, vector<16xf32>,
    tpu.vector_store %arg11[%swap3A_112, %swap3A_113], %broadcast_in_dim3A_106 {strides = array<i32>} : memref<16x16xf32, #tpu.memory_space<vmem>>, vector<16xf32>,
    %swap3A_115 = arith.constant 12 : i32
    %swap3A_116 = arith.index_cast %swap3A_115 : i32 to index
    %swap3A_117 = arith.constant 0 : index
    %swap3A_118 = tpu.vector_load %arg11[%swap3A_116, %swap3A_117] {strides = array<i32>} : memref<16x16xf32, #tpu.memory_space<vmem>>, vector<16xf32>,
    tpu.vector_store %arg11[%swap3A_116, %swap3A_117], %broadcast_in_dim3A_106 {strides = array<i32>} : memref<16x16xf32, #tpu.memory_space<vmem>>, vector<16xf32>,
    %swap3A_119 = arith.constant 13 : i32
    %swap3A_120 = arith.index_cast %swap3A_119 : i32 to index
    %swap3A_121 = arith.constant 0 : index
    %swap3A_122 = tpu.vector_load %arg11[%swap3A_120, %swap3A_121] {strides = array<i32>} : memref<16x16xf32, #tpu.memory_space<vmem>>, vector<16xf32>,
    tpu.vector_store %arg11[%swap3A_120, %swap3A_121], %broadcast_in_dim3A_106 {strides = array<i32>} : memref<16x16xf32, #tpu.memory_space<vmem>>, vector<16xf32>,
    %swap3A_123 = arith.constant 14 : i32
    %swap3A_124 = arith.index_cast %swap3A_123 : i32 to index
    %swap3A_125 = arith.constant 0 : index
    %swap3A_126 = tpu.vector_load %arg11[%swap3A_124, %swap3A_125] {strides = array<i32>} : memref<16x16xf32, #tpu.memory_space<vmem>>, vector<16xf32>,
    tpu.vector_store %arg11[%swap3A_124, %swap3A_125], %broadcast_in_dim3A_106 {strides = array<i32>} : memref<16x16xf32, #tpu.memory_space<vmem>>, vector<16xf32>,
    %swap3A_127 = arith.constant 15 : i32
    %swap3A_128 = arith.index_cast %swap3A_127 : i32 to index
    %swap3A_129 = arith.constant 0 : index
    %swap3A_130 = tpu.vector_load %arg11[%swap3A_128, %swap3A_129] {strides = array<i32>} : memref<16x16xf32, #tpu.memory_space<vmem>>, vector<16xf32>,
    tpu.vector_store %arg11[%swap3A_128, %swap3A_129], %broadcast_in_dim3A_106 {strides = array<i32>} : memref<16x16xf32, #tpu.memory_space<vmem>>, vector<16xf32>,
    "tpu.region"() ({
      %run_scoped3A = tpu.sem_alloc : memref<!tpu.dma_semaphore, #tpu.memory_space<semaphore_mem>>
      %dma_start3A = arith.constant 0 : i32
      %dma_start3A_131 = arith.constant 0 : i32
      %dma_start3A_132 = tpu.memref_slice %arg6[%add3A, %dma_start3A, %dma_start3A_131] : memref<32x16x16xf32, #tpu.memory_space<hbm>> -> memref<1x16x16xf32, #tpu.memory_space<hbm>>
      %dma_start3A_133 = tpu.memref_squeeze %dma_start3A_132 : memref<1x16x16xf32, #tpu.memory_space<hbm>> -> memref<16x16xf32, #tpu.memory_space<hbm>>
      %dma_start3A_134 = arith.constant 0 : i32
      %dma_start3A_135 = arith.constant 0 : i32
      %dma_start3A_136 = tpu.memref_slice %arg6[%add3A, %dma_start3A_134, %dma_start3A_135] : memref<32x16x16xf32, #tpu.memory_space<hbm>> -> memref<1x16x16xf32, #tpu.memory_space<hbm>>
      %dma_start3A_137 = tpu.memref_squeeze %dma_start3A_136 : memref<1x16x16xf32, #tpu.memory_space<hbm>> -> memref<16x16xf32, #tpu.memory_space<hbm>>
      tpu.enqueue_dma source(%arg11 : memref<16x16xf32, #tpu.memory_space<vmem>>) target(%dma_start3A_137 : memref<16x16xf32, #tpu.memory_space<hbm>>) target_semaphore(%run_scoped3A : memref<!tpu.dma_semaphore, #tpu.memory_space<semaphore_mem>>)
      %dma_wait3A = arith.constant 0 : i32
      %dma_wait3A_138 = arith.constant 0 : i32
      %dma_wait3A_139 = tpu.memref_slice %arg6[%add3A, %dma_wait3A, %dma_wait3A_138] : memref<32x16x16xf32, #tpu.memory_space<hbm>> -> memref<1x16x16xf32, #tpu.memory_space<hbm>>
      %dma_wait3A_140 = tpu.memref_squeeze %dma_wait3A_139 : memref<1x16x16xf32, #tpu.memory_space<hbm>> -> memref<16x16xf32, #tpu.memory_space<hbm>>
      %dma_wait3A_141 = arith.constant 0 : i32
      %dma_wait3A_142 = arith.constant 0 : i32
      %dma_wait3A_143 = tpu.memref_slice %arg6[%add3A, %dma_wait3A_141, %dma_wait3A_142] : memref<32x16x16xf32, #tpu.memory_space<hbm>> -> memref<1x16x16xf32, #tpu.memory_space<hbm>>
      %dma_wait3A_144 = tpu.memref_squeeze %dma_wait3A_143 : memref<1x16x16xf32, #tpu.memory_space<hbm>> -> memref<16x16xf32, #tpu.memory_space<hbm>>
      tpu.wait_dma2 semaphore(%run_scoped3A : memref<!tpu.dma_semaphore, #tpu.memory_space<semaphore_mem>>) src(%arg11 : memref<16x16xf32, #tpu.memory_space<vmem>>) dst(%dma_wait3A_144 : memref<16x16xf32, #tpu.memory_space<hbm>>)
      tpu.yield
    }) : () -> ()
    return
  }
}

module attributes {stable_mosaic.version = 14 : i64} {
  func.func @_tc_combine_body(%arg0: i32, %arg1: memref<16x128xi32, #tpu.memory_space<vmem>>, %arg2: memref<16x2048xf32, #tpu.memory_space<vmem>>, %arg3: memref<32x16x16xf32, #tpu.memory_space<vmem>>, %arg4: memref<4xf32, #tpu.memory_space<smem>>) attributes {dimension_semantics = [#tpu.dimension_semantics<arbitrary>], iteration_bounds = array<i64: 1>, scalar_prefetch = 0 : i64, scratch_operands = 0 : i64, tpu.core_type = #tpu.core_type<tc>, window_params = [{pipeline_mode = #tpu.pipeline_mode<synchronous>, transform_indices = @transform_0, window_bounds = array<i64: 16, 128>}, {pipeline_mode = #tpu.pipeline_mode<synchronous>, transform_indices = @transform_1, window_bounds = array<i64: 16, 2048>}, {pipeline_mode = #tpu.pipeline_mode<synchronous>, transform_indices = @transform_2, window_bounds = array<i64: 32, 16, 16>}, {transform_indices = @transform_3, window_bounds = array<i64: 4>}]} {
    %get3A = arith.constant 0 : index
    %get3A_0 = arith.constant 0 : index
    %get3A_1 = vector.load %arg1[%get3A, %get3A_0] : memref<16x128xi32, #tpu.memory_space<vmem>>, vector<16x1xi32>
    %get3A_2 = arith.constant 0 : index
    %get3A_3 = arith.constant 0 : index
    %get3A_4 = arith.constant 0 : index
    %get3A_5 = vector.load %arg3[%get3A_2, %get3A_3, %get3A_4] : memref<32x16x16xf32, #tpu.memory_space<vmem>>, vector<32x16x16xf32>
    %slice3A = vector.extract_strided_slice %get3A_5 {offsets = [0, 0, 0], sizes = [32, 5, 16], strides = [1, 1, 1]} : vector<32x16x16xf32> to vector<32x5x16xf32>
    %reduce_sum3A = vector.shape_cast %slice3A : vector<32x5x16xf32> to vector<1x32x5x16xf32>
    %reduce_sum3A_6 = arith.constant dense<0.000000e+00> : vector<1xf32>
    %reduce_sum3A_7 = vector.multi_reduction <add>, %reduce_sum3A, %reduce_sum3A_6 [1, 2, 3] : vector<1x32x5x16xf32> to vector<1xf32>
    %reduce_sum3A_8 = vector.shape_cast %reduce_sum3A_7 : vector<1xf32> to vector<1x1x1x1xf32>
    %reduce_sum3A_9 = vector.extract %reduce_sum3A_8[0, 0, 0, 0] : f32 from vector<1x1x1x1xf32>
    %slice3A_10 = vector.extract_strided_slice %get3A_5 {offsets = [0, 5, 0], sizes = [32, 5, 16], strides = [1, 1, 1]} : vector<32x16x16xf32> to vector<32x5x16xf32>
    %reduce_sum3A_11 = vector.shape_cast %slice3A_10 : vector<32x5x16xf32> to vector<1x32x5x16xf32>
    %reduce_sum3A_12 = arith.constant dense<0.000000e+00> : vector<1xf32>
    %reduce_sum3A_13 = vector.multi_reduction <add>, %reduce_sum3A_11, %reduce_sum3A_12 [1, 2, 3] : vector<1x32x5x16xf32> to vector<1xf32>
    %reduce_sum3A_14 = vector.shape_cast %reduce_sum3A_13 : vector<1xf32> to vector<1x1x1x1xf32>
    %reduce_sum3A_15 = vector.extract %reduce_sum3A_14[0, 0, 0, 0] : f32 from vector<1x1x1x1xf32>
    %iota3A = tpu.iota {dimensions = array<i32: 1>} : vector<16x2048xi32>
    %lt3A = vector.broadcast %get3A_1 : vector<16x1xi32> to vector<16x2048xi32>
    %lt3A_16 = arith.cmpi slt, %iota3A, %lt3A : vector<16x2048xi32>
    %jit3A = arith.constant 1.000000e+00 : f32
    %jit3A_17 = arith.constant 0.000000e+00 : f32
    %broadcast_in_dim3A = vector.broadcast %jit3A : f32 to vector<16x2048xf32>
    %broadcast_in_dim3A_18 = vector.broadcast %jit3A_17 : f32 to vector<16x2048xf32>
    %select_n3A = arith.select %lt3A_16, %broadcast_in_dim3A, %broadcast_in_dim3A_18 : vector<16x2048xi1>, vector<16x2048xf32>
    %sub3A = arith.constant 1 : i32
    %sub3A_19 = vector.broadcast %sub3A : i32 to vector<16x1xi32>
    %sub3A_20 = arith.subi %get3A_1, %sub3A_19 : vector<16x1xi32>
    %eq3A = vector.broadcast %sub3A_20 : vector<16x1xi32> to vector<16x2048xi32>
    %eq3A_21 = arith.cmpi eq, %iota3A, %eq3A : vector<16x2048xi32>
    %jit3A_22 = arith.constant 1.000000e+00 : f32
    %jit3A_23 = arith.constant 0.000000e+00 : f32
    %broadcast_in_dim3A_24 = vector.broadcast %jit3A_22 : f32 to vector<16x2048xf32>
    %broadcast_in_dim3A_25 = vector.broadcast %jit3A_23 : f32 to vector<16x2048xf32>
    %select_n3A_26 = arith.select %eq3A_21, %broadcast_in_dim3A_24, %broadcast_in_dim3A_25 : vector<16x2048xi1>, vector<16x2048xf32>
    %get3A_27 = arith.constant 0 : index
    %get3A_28 = arith.constant 0 : index
    %get3A_29 = vector.load %arg2[%get3A_27, %get3A_28] : memref<16x2048xf32, #tpu.memory_space<vmem>>, vector<16x2048xf32>
    %neg3A = arith.constant 0.000000e+00 : f32
    %neg3A_30 = vector.broadcast %neg3A : f32 to vector<16x2048xf32>
    %neg3A_31 = arith.subf %neg3A_30, %get3A_29 : vector<16x2048xf32>
    %max3A = arith.constant 0.000000e+00 : f32
    %max3A_32 = vector.broadcast %max3A : f32 to vector<16x2048xf32>
    %max3A_33 = arith.maximumf %neg3A_31, %max3A_32 : vector<16x2048xf32>
    %abs3A = math.absf %get3A_29 : vector<16x2048xf32>
    %neg3A_34 = arith.constant 0.000000e+00 : f32
    %neg3A_35 = vector.broadcast %neg3A_34 : f32 to vector<16x2048xf32>
    %neg3A_36 = arith.subf %neg3A_35, %abs3A : vector<16x2048xf32>
    %exp3A = math.exp %neg3A_36 : vector<16x2048xf32>
    %log1p3A = math.log1p %exp3A : vector<16x2048xf32>
    %add3A = arith.addf %max3A_33, %log1p3A : vector<16x2048xf32>
    %mul3A = arith.constant 8.000000e+00 : f32
    %mul3A_37 = vector.broadcast %mul3A : f32 to vector<16x2048xf32>
    %mul3A_38 = arith.mulf %mul3A_37, %select_n3A_26 : vector<16x2048xf32>
    %mul3A_39 = arith.mulf %mul3A_38, %add3A : vector<16x2048xf32>
    %sub3A_40 = arith.constant 1.000000e+00 : f32
    %sub3A_41 = vector.broadcast %sub3A_40 : f32 to vector<16x2048xf32>
    %sub3A_42 = arith.subf %sub3A_41, %select_n3A_26 : vector<16x2048xf32>
    %add3A_43 = arith.addf %get3A_29, %add3A : vector<16x2048xf32>
    %mul3A_44 = arith.mulf %sub3A_42, %add3A_43 : vector<16x2048xf32>
    %add3A_45 = arith.addf %mul3A_39, %mul3A_44 : vector<16x2048xf32>
    %mul3A_46 = arith.mulf %add3A_45, %select_n3A : vector<16x2048xf32>
    %reduce_sum3A_47 = vector.shape_cast %mul3A_46 : vector<16x2048xf32> to vector<1x16x2048xf32>
    %reduce_sum3A_48 = arith.constant dense<0.000000e+00> : vector<1xf32>
    %reduce_sum3A_49 = vector.multi_reduction <add>, %reduce_sum3A_47, %reduce_sum3A_48 [1, 2] : vector<1x16x2048xf32> to vector<1xf32>
    %reduce_sum3A_50 = vector.shape_cast %reduce_sum3A_49 : vector<1xf32> to vector<1x1x1xf32>
    %reduce_sum3A_51 = vector.extract %reduce_sum3A_50[0, 0, 0] : f32 from vector<1x1x1xf32>
    %reduce_sum3A_52 = vector.shape_cast %select_n3A : vector<16x2048xf32> to vector<1x16x2048xf32>
    %reduce_sum3A_53 = arith.constant dense<0.000000e+00> : vector<1xf32>
    %reduce_sum3A_54 = vector.multi_reduction <add>, %reduce_sum3A_52, %reduce_sum3A_53 [1, 2] : vector<1x16x2048xf32> to vector<1xf32>
    %reduce_sum3A_55 = vector.shape_cast %reduce_sum3A_54 : vector<1xf32> to vector<1x1x1xf32>
    %reduce_sum3A_56 = vector.extract %reduce_sum3A_55[0, 0, 0] : f32 from vector<1x1x1xf32>
    %mul3A_57 = arith.constant 8.000000e+01 : f32
    %mul3A_58 = arith.mulf %reduce_sum3A_56, %mul3A_57 : f32
    %div3A = arith.divf %reduce_sum3A_9, %mul3A_58 : f32
    %mul3A_59 = arith.constant 8.000000e+01 : f32
    %mul3A_60 = arith.mulf %reduce_sum3A_56, %mul3A_59 : f32
    %div3A_61 = arith.divf %reduce_sum3A_15, %mul3A_60 : f32
    %div3A_62 = arith.divf %reduce_sum3A_51, %reduce_sum3A_56 : f32
    %mul3A_63 = arith.constant 5.000000e-01 : f32
    %mul3A_64 = arith.mulf %mul3A_63, %div3A_61 : f32
    %add3A_65 = arith.addf %div3A, %mul3A_64 : f32
    %add3A_66 = arith.addf %add3A_65, %div3A_62 : f32
    %swap3A = arith.constant 0 : index
    %swap3A_67 = memref.load %arg4[%swap3A] : memref<4xf32, #tpu.memory_space<smem>>
    memref.store %add3A_66, %arg4[%swap3A] : memref<4xf32, #tpu.memory_space<smem>>
    %swap3A_68 = arith.constant 1 : index
    %swap3A_69 = memref.load %arg4[%swap3A_68] : memref<4xf32, #tpu.memory_space<smem>>
    memref.store %div3A, %arg4[%swap3A_68] : memref<4xf32, #tpu.memory_space<smem>>
    %swap3A_70 = arith.constant 2 : index
    %swap3A_71 = memref.load %arg4[%swap3A_70] : memref<4xf32, #tpu.memory_space<smem>>
    memref.store %div3A_61, %arg4[%swap3A_70] : memref<4xf32, #tpu.memory_space<smem>>
    %swap3A_72 = arith.constant 3 : index
    %swap3A_73 = memref.load %arg4[%swap3A_72] : memref<4xf32, #tpu.memory_space<smem>>
    memref.store %div3A_62, %arg4[%swap3A_72] : memref<4xf32, #tpu.memory_space<smem>>
    return
  }
  func.func @transform_0(%arg0: i32) -> (i32, i32) {
    %c0_i32 = arith.constant 0 : i32
    %c0_i32_0 = arith.constant 0 : i32
    %c0_i32_1 = arith.constant 0 : i32
    return %c0_i32, %c0_i32_0 : i32, i32
  }
  func.func @transform_1(%arg0: i32) -> (i32, i32) {
    %c0_i32 = arith.constant 0 : i32
    %c0_i32_0 = arith.constant 0 : i32
    %c0_i32_1 = arith.constant 0 : i32
    return %c0_i32, %c0_i32_0 : i32, i32
  }
  func.func @transform_2(%arg0: i32) -> (i32, i32, i32) {
    %c0_i32 = arith.constant 0 : i32
    %c0_i32_0 = arith.constant 0 : i32
    %c0_i32_1 = arith.constant 0 : i32
    %c0_i32_2 = arith.constant 0 : i32
    return %c0_i32, %c0_i32_0, %c0_i32_1 : i32, i32, i32
  }
  func.func @transform_3(%arg0: i32) -> i32 {
    %c0_i32 = arith.constant 0 : i32
    %c0_i32_0 = arith.constant 0 : i32
    return %c0_i32 : i32
  }
}

</mosaic_0001>

<sc_bundles>
// kernel: _ttsloss.4.cloned.1.call-start
scs
__scs_entry_jumppad:
0x0: {  	(pc) =	sbr.rel $0x88, $3  }
0x1: {  	(tag) =	ssettag $0x0;
	lr =	simm.s32 $0x1  }
0x2: {  	[smem:$0x3F9C] =	sst lr;
	_ =	strace $0xD0000000  }
0x3: {  	_ = 	snop  }
0x4: {  	_ = 	snop  }
0x5: {  	_ = 	snop  }
0x6: {  	_ = 	snop  }
0x7: {  	_ = 	snop  }
__scs_overlays_trampoline_lowered:
0x8: {  	[smem:$0x3FAB] =	sst s0  }
0x9: {  	[smem:$0x3FAC] =	sst s1  }
0xa: {  	[smem:$0x3FAD] =	sst s2  }
0xb: {  	[smem:$0x3FAE] =	sst s3  }
0xc: {  	[smem:$0x3FAF] =	sst s4  }
0xd: {  	[smem:$0x3FB0] =	sst s5  }
0xe: {  	[smem:$0x3FB1] =	sst s6  }
0xf: {  	[smem:$0x3FB2] =	sst s7  }
0x10: {  	[smem:$0x3FB3] =	sst s8  }
0x11: {  	[smem:$0x3FB4] =	sst s9;
	s0 =	simm.s32 @!p0 $0x0  }
0x12: {  	s1 =	sld [smem:$0x3F9A];
	s0 =	simm.s32 @p0 $0x1  }
0x13: {  	[smem:$0x3FB5] =	sst s0;
	s0 =	simm.s32 @!p1 $0x0  }
0x14: {  	s2 =	sld [smem:$0x3F99];
	s0 =	simm.s32 @p1 $0x1  }
0x15: {  	[smem:$0x3FB6] =	sst s0;
	s0 =	simm.s32 @!p2 $0x0  }
0x16: {  	s3 =	sld [smem:$0x3FDB];
	s0 =	simm.s32 @p2 $0x1  }
0x17: {  	s4 =	simm.s32 $0x1BF5;
	[smem:$0x3FB8] =	sst s0  }
0x18: {  	s0 =	sld [smem:$0x3F9B];
	_ =	swait.ge [sflag:s4], $0x0  }
0x19: {  	s7 =	sld [smem:$0x3F9C]  }
0x1a: {  	s8 =	sadd.s32 $0xFFFFE003, lr  }
0x1b: {  	s9 =	sadd.s32 $0xFFFFFEF7, lr;
	s5 =	simm.s32 $0xFFFFFFFF;
	p2 =	slt.u32 s8, $0xFFFFF086  }
0x1c: {  	p1 =	slt.u32 s9, $0xF7A;
	s5 =	simm.s32 @!p2 $0x0  }
0x1d: {  	s5 =	simm.s32 @p1 $0x1;
	p0 =	seq.s32 s7, s2  }
0x1e: {  	s7 =	smul.u32 @!p0 $0xF7A, s2;
	p2 =	seq.s32 @!p0 s5, $0x0  }
0x1f: {  	s9 =	smul.u32 $0xF7A, s1;
	s8 =	simm.s32 @!p0 $0x1BF5;
	p2 =	por !p2, p0  }
0x20: {  	[sflag:s8] =	ssyncset.s32 @!p0 $0xFFFFF086;
	s6 =	sadd.s32 @!p0 s3, s7;
	s7 =	simm.s32 @!p0 $0x108  }
0x21: {  	s3 =	sadd.s32 s3, s9;
	s6 =	sadd.s32 @!p0 $0x88, s6;
	s7 =	simm.s32 @p2 $0x1082  }
0x22: {  	[simem:s7], [sflag:s8] =	dma.local @!p0 [hbm:s6], $0xF7A  }
0x23: {  	s9 =	sor.u32 $0xD0000000, s2;
	s6 =	simm.s32 $0x108;
	_ =	swait.ge @!p0 [sflag:s8], $0x0  }
0x24: {  	s3 =	sadd.s32 $0x88, s3;
	s6 =	simm.s32 @!p1 $0x1082;
	[sflag:s4] =	ssyncset.s32 $0xFFFFF086  }
0x25: {  	[simem:s6], [sflag:s4] =	dma.local [hbm:s3], $0xF7A  }
0x26: {  	[smem:$0x3F9C] =	sst s1;
	(tag) =	ssettag s2;
	_ =	strace s9  }
0x27: {  	s1 =	sld [smem:$0x3FAC]  }
0x28: {  	s2 =	sld [smem:$0x3FAD]  }
0x29: {  	s4 =	sld [smem:$0x3FAF]  }
0x2a: {  	p0 =	seq.s32 s5, $0x0;
	s5 =	sld [smem:$0x3FB0]  }
0x2b: {  	s6 =	sld [smem:$0x3FB1]  }
0x2c: {  	s7 =	sld [smem:$0x3FB2]  }
0x2d: {  	s3 =	simm.s32 $0x108;
	s8 =	sld [smem:$0x3FB3]  }
0x2e: {  	s3 =	simm.s32 @!p0 $0x1082;
	s9 =	sld [smem:$0x3FB4]  }
0x2f: {  	lr =	sadd.s32 s0, s3;
	s0 =	sld [smem:$0x3FAB]  }
0x30: {  	s3 =	sld [smem:$0x3FAE]  }
0x31: {  	[smem:$0x3FB7] =	sst s10  }
0x32: {  	s10 =	sld [smem:$0x3FB5];
	_ =	sdelay $0x3  }
0x33: {  	p0 =	seq.s32 s10, $0x1;
	s10 =	sld [smem:$0x3FB7];
	_ =	sdelay $0x3  }
0x34: {  	[smem:$0x3FB7] =	sst s10  }
0x35: {  	s10 =	sld [smem:$0x3FB6];
	_ =	sdelay $0x3  }
0x36: {  	p1 =	seq.s32 s10, $0x1;
	s10 =	sld [smem:$0x3FB7];
	_ =	sdelay $0x3  }
0x37: {  	[smem:$0x3FB7] =	sst s10  }
0x38: {  	s10 =	sld [smem:$0x3FB8]  }
0x39: {  	_ = 	snop;
	(pc) =	sbr.ind lr, $3  }
0x3a: {  	_ = 	snop  }
0x3b: {  	_ = 	snop  }
0x3c: {  	p2 =	seq.s32 s10, $0x1;
	s10 =	sld [smem:$0x3FB7]  }
0x3d: {  	_ =	shalt  }
0x3e: {  	_ =	shalt  }
0x3f: {  	_ =	shalt  }
0x40: {  	_ =	shalt  }
0x41: {  	_ =	shalt  }
0x42: {  	_ =	shalt  }
0x43: {  	_ =	shalt  }
0x44: {  	_ =	shalt  }
0x45: {  	_ =	shalt  }
0x46: {  	_ =	shalt  }
0x47: {  	_ =	shalt  }
0x48: {  	_ =	shalt  }
0x49: {  	_ =	shalt  }
0x4a: {  	_ =	shalt  }
0x4b: {  	_ =	shalt  }
0x4c: {  	_ =	shalt  }
0x4d: {  	_ =	shalt  }
0x4e: {  	_ =	shalt  }
0x4f: {  	_ =	shalt  }
0x50: {  	_ =	shalt  }
0x51: {  	_ =	shalt  }
0x52: {  	_ =	shalt  }
0x53: {  	_ =	shalt  }
0x54: {  	_ =	shalt  }
0x55: {  	_ =	shalt  }
0x56: {  	_ =	shalt  }
0x57: {  	_ =	shalt  }
0x58: {  	_ =	shalt  }
0x59: {  	_ =	shalt  }
0x5a: {  	_ =	shalt  }
0x5b: {  	_ =	shalt  }
0x5c: {  	_ =	shalt  }
0x5d: {  	_ =	shalt  }
0x5e: {  	_ =	shalt  }
0x5f: {  	_ =	shalt  }
0x60: {  	_ =	shalt  }
0x61: {  	_ =	shalt  }
0x62: {  	_ =	shalt  }
0x63: {  	_ =	shalt  }
0x64: {  	_ =	shalt  }
0x65: {  	_ =	shalt  }
0x66: {  	_ =	shalt  }
0x67: {  	_ =	shalt  }
0x68: {  	_ =	shalt  }
0x69: {  	_ =	shalt  }
0x6a: {  	_ =	shalt  }
0x6b: {  	_ =	shalt  }
0x6c: {  	_ =	shalt  }
0x6d: {  	_ =	shalt  }
0x6e: {  	_ =	shalt  }
0x6f: {  	_ =	shalt  }
0x70: {  	_ =	shalt  }
0x71: {  	_ =	shalt  }
0x72: {  	_ =	shalt  }
0x73: {  	_ =	shalt  }
0x74: {  	_ =	shalt  }
0x75: {  	_ =	shalt  }
0x76: {  	_ =	shalt  }
0x77: {  	_ =	shalt  }
0x78: {  	_ =	shalt  }
0x79: {  	_ =	shalt  }
0x7a: {  	_ =	shalt  }
0x7b: {  	_ =	shalt  }
0x7c: {  	_ =	shalt  }
0x7d: {  	_ =	shalt  }
0x7e: {  	_ =	shalt  }
0x7f: {  	_ =	shalt  }
0x80: {  	_ =	shalt  }
0x81: {  	_ =	shalt  }
0x82: {  	_ =	shalt  }
0x83: {  	_ =	shalt  }
0x84: {  	_ =	shalt  }
0x85: {  	_ =	shalt  }
0x86: {  	_ =	shalt  }
0x87: {  	_ =	shalt  }
.Lfunc_end0:
.L_simem_size_0:
called_computation_lowered:
.L_overlay_start_0:
0x88: {  	s2 =	sld [smem:$0x3FD9]  }
0x89: {  	s3 =	sld [smem:$0x3FFE];
	_ =	sdelay $0x1  }
0x8a: {  	s1 =	srdreg.scid  }
0x8b: {  	s0 =	sand.u32 $0x1, s1  }
0x8c: {  	s17 =	sshll.u32 s0, $0xA;
	s2 =	sadd.s32 s3, s2  }
0x8d: {  	s2 =	sadd.s32 s2, s17  }
0x8e: {  	[smem:$0x3FC3] =	sst s2  }
0x8f: {  	_ = 	snop  }
0x90: {  	s2 =	sld [smem:$0x3FC5];
	(tm) =	ssettm $0x1  }
0x91: {  	s18 =	sld [smem:$0x3FFB];
	_ =	sdelay $0x3  }
0x92: {  	_ =	strace s18  }
0x93: {  	s3 =	sld [smem:$0x3FFC];
	_ =	sdelay $0x3  }
0x94: {  	_ =	strace s3  }
0x95: {  	s3 =	sld [smem:$0x3FFD];
	_ =	sdelay $0x3  }
0x96: {  	_ =	strace s3  }
0x97: {  	_ =	strace $0x8FFFFFFF  }
0x98: {  	s19 =	sld [smem:$0x3FDB];
	_ =	sdelay $0x1  }
0x99: {  	s4 =	simm.s32 $_scs_section_size  }
0x9a: {  	s5 =	simm.s32 $_size__tile_overlayer_lowered;
	s6 =	simm.s32 $_tile_overlayer_lowered  }
0x9b: {  	s22 =	simm.s32 $0x1BFF;
	s21 =	sshll.u32 s6, $0x1;
	s3 =	sadd.s32 s4, s19  }
0x9c: {  	s7 =	simm.s32 $0x0;
	s20 =	sshll.u32 s5, $0x1;
	s5 =	sadd.s32 s21, s3  }
0x9d: {  	[timem:s7], [sflag:s22] =	dma.local [hbm:s5], s20  }
0x9e: {  	_ =	swait.ge [sflag:s22], s20  }
0x9f: {  	s4 =	ssub.s32 $0x0, s20;
	[sflag:s22] =	ssyncset.done $0x0  }
0xa0: {  	[sflag:s22] =	ssyncadd.s32 s4;
	_ =	sdelay $0x1  }
0xa1: {  	s23 =	simm.s32 $0x1B8B  }
0xa2: {  	_ =	swait.ge [sflag:s23], $0x1  }
0xa3: {  	[sflag:s23] =	ssyncset.done $0x0  }
0xa4: {  	s25 =	simm.s32 $0x1B8E;
	s24 =	sld [smem:$0x3FFE];
	[sflag:s23] =	ssyncadd.s32 $0xFFFFFFFF  }
0xa5: {  	s26 =	simm.s32 $execute0_lowered;
	[smem:$0x3FD2] =	sst s25  }
0xa6: {  	s5 =	sshll.u32 s26, $0x1;
	_ =	strace $0x80000046;
	[dreg:$0x1] =	wrdreg $0xFFFFFFFF  }
0xa7: {  	s28 =	simm.s32 $_size_execute0_lowered;
	s3 =	sadd.s32 s3, s5;
	[dreg:$0x0] =	wrdreg $0x0  }
0xa8: {  	s5 =	sshll.u32 s28, $0x1;
	[dreg:$0x2] =	wrdreg s3  }
0xa9: {  	[dreg:$0x3] =	wrdreg s5  }
0xaa: {  	[dreg:$0x4] =	wrdreg $0xC0  }
0xab: {  	_ =	task [dreg:s7], $0x5FFFF  }
0xac: {  	[dreg:$0x1] =	wrdreg $0xFFFFFFFF  }
0xad: {  	[dreg:$0x0] =	wrdreg $0x60  }
0xae: {  	[dreg:$0x2] =	wrdreg s2  }
0xaf: {  	[dreg:$0x3] =	wrdreg s24  }
0xb0: {  	[dreg:$0x4] =	wrdreg $0x9  }
0xb1: {  	_ =	task.clear_ibuf [dreg:s7], $0x5FFFF;
	_ =	strace $0x90000046  }
0xb2: {  	s29 =	simm.s32 $0x9;
	_ =	strace $0x80000048  }
0xb3: {  	_ =	swait.ge [sflag:s29], $0x1  }
0xb4: {  	[sflag:s29] =	ssyncadd.s32 $0xFFFFFFFF  }
0xb5: {  	_ =	strace $0x90000048  }
0xb6: {  	_ =	sfence  }
0xb7: {  	s30 =	sld [smem:$0x0];
	_ =	sdelay $0x2  }
0xb8: {  	s31 =	sshll.u32 s1, $0xD;
	s1 =	sshrl.u32 s1, $0x2  }
0xb9: {  	s3 =	sand.u32 $0x4000, s31;
	s1 =	sadd.s32 s1, s30  }
0xba: {  	s0 =	sor.u32 s3, s0;
	s1 =	sshll.u32 s1, $0x11  }
0xbb: {  	s0 =	sor.u32 s1, s0  }
0xbc: {  	s0 =	sadd.s32 $0x8F2B, s0  }
0xbd: {  	[sflag:s0] =	ssyncadd.remote.s32 $0x1  }
0xbe: {  	_ =	sfence.sel $0xFFFF  }
0xbf: {  	[dreg:$0x0] =	wrdreg $0xFFFFFFFF;
	(pc) =	sbr.abs _section_cstart, $3  }
0xc0: {  	[dreg:$0x1] =	wrdreg $0xFFFFFFFF  }
0xc1: {  	_ =	task.clear_ibuf [dreg:s7], $0x2FFFF;
	_ =	strace $0x9FFFFFFF  }
0xc2: {  	(tm) =	ssettm $0x7FFFFFFF  }
0xc3: {  	_ =	shalt  }
tec
execute0_lowered:
.L_overlay_start_1:
0x0: {  	(tag) =	ssettag $0x1  }
0x1: {  	s1 =	srdreg.scid;
	s2 =	rddreg [dreg:$0x0]  }
0x2: {  	s0 =	stileid.u32;
	s10 =	rddreg [dreg:$0x1]  }
0x3: {  	s3 =	simm.s32 $0x0;
	s7 =	simm.s32 $0x1;
	s16 =	simm.s32 $0x0  }
0x4: {  	s8 =	sand.u32 $0x1, s1;
	s30 =	sshll.u32 s0, $0x1;
	s1 =	rddreg [dreg:$0x2]  }
0x5: {  	[smem:$0x7FF] =	sst s3;
	s4 =	sadd.s32 $0x2200, s10;
	s9 =	sor.u32 s8, s30  }
0x6: {  	s5 =	sadd.s32 $0x82200, s10;
	p1 =	seq.s32 s8, $0x1;
	p0 =	seq.s32 s9, $0x0  }
0x7: {  	s6 =	sadd.s32 $0x102200, s10;
	_ =	strace $0x80000047;
	p0 =	por !p0, !p1  }
0x8: {  	s12 =	ssub.s32 $0x2, s8;
	s13 =	sshll.u32 s8, $0x11;
	p0 =	por !p0, !p0  }
0x9: {  	s8 =	sshll.u32 s8, $0xA;
	s9 =	sshll.u32 s9, $0x8;
	s7 =	simm.s32 @!p0 $0x0  }
.Ltmp0:
0xa: {  	s14 =	sshrl.u32 s12, $0x1;
	s11 =	ssub.s32 s0, s7;
	(pc) =	sbr.rel .LBB2_1-.Ltmp0, $4  }
0xb: {  	s15 =	sadd.s32 s9, s10;
	s14 =	ssub.s32 s12, s14;
	s7 =	sshll.u32 s11, $0x12  }
0xc: {  	s12 =	sadd.s32 $0x182200, s15;
	s15 =	simm.s32 $0x18080;
	s13 =	sor.u32 s13, s7  }
0xd: {  	v1 =	vlaneseq.u32;
	v0 =	vmov s11;
	s31 =	sshrl.u32 s13, $0x3;
	s13 =	smax.u32 s14, $0x1;
	s14 =	simm.s32 $0x7  }
0xe: {  	vm0 =	veq.s32 v0, v1;
	v0 =	vimm.f32 $0.0e+00;
	s9 =	sadd.s32 s4, s31;
	s10 =	sadd.s32 s5, s31;
	s11 =	sadd.s32 s6, s31  }
.LBB2_11:
0xf: {  	[tilespmem:$0x18080] =	vst v10  }
0x10: {  	[tilespmem:$0x18300] =	vst v8  }
0x11: {  	[tilespmem:$0x18100] =	vst v9  }
0x12: {  	[tilespmem:$0x18380] =	vst v6  }
0x13: {  	[tilespmem:$0x18180] =	vst v7  }
0x14: {  	[tilespmem:$0x18400] =	vst v3  }
0x15: {  	[tilespmem:$0x18200] =	vst v5  }
0x16: {  	[tilespmem:$0x18480] =	vst v4  }
0x17: {  	[tilespmem:$0x18280] =	vst v2  }
0x18: {  	[tilespmem:$0x18500] =	vst v1  }
0x19: {  	[tilespmem:$0x18580] =	vst v0  }
0x1a: {  	[tilespmem:$0x18600] =	vst v0  }
0x1b: {  	[tilespmem:$0x18680] =	vst v0  }
0x1c: {  	[tilespmem:$0x18700] =	vst v0;
	s16 =	sadd.s32 $0x1, s16  }
0x1d: {  	[tilespmem:$0x18780] =	vst v0;
	p0 =	sne.s32 s16, s13  }
.Ltmp1:
0x1e: {  	[tilespmem:$0x18800] =	vst v0;
	(pc) =	sbr.rel @!p0 .LBB2_12-.Ltmp1, $4  }
0x1f: {  	[hbm4b:s12+s3] =	stream.linear.scatter [tilespmem:s15], [sflag:$0x7], $0x800, $0x38;
	[tilespmem:$0x18880] =	vst v63  }
0x20: {  	_ =	swait.ge [sflag:s14], $0x800  }
0x21: {  	[sflag:s14] =	ssyncset.done $0x0  }
0x22: {  	[sflag:s14] =	ssyncadd.s32 $0xFFFFF800  }
.LBB2_1:
0x23: {  	[tilespmem:s3], [sflag:$0x7] =	stream.linear.gather [hbm4b:s2+s3], $0x80, $0x38;
	[tilespmem:$0x18880] =	vst v63  }
0x24: {  	_ =	swait.ge [sflag:s14], $0x80  }
0x25: {  	[sflag:s14] =	ssyncset.done $0x0  }
0x26: {  	[sflag:s14] =	ssyncadd.s32 $0xFFFFFF80  }
0x27: {  	v1 =	vld [tilespmem:$0x0];
	_ =	sdelay $0x4  }
0x28: {  	v1 =	vnsel vm0, $0x0, v1  }
0x29: {  	(xrf0) =	vadd.scan.msk.s32 $0xffff, v1;
	_ =	sdelay $0x5  }
0x2a: {  	v1, _, _ =	vpop (xrf0)  }
0x2b: {  	(v2sf) =	vpush v1, $0xF;
	_ =	sdelay $0xe  }
0x2c: {  	s17 =	spop (v2sf)  }
0x2d: {  	s18 =	ssub.s32 s17, s8  }
0x2e: {  	p0 =	slt.s32 s18, $0x1  }
0x2f: {  	s19 =	simm.s32 @!p0 $0x0;
	s20 =	simm.s32 @!p0 $0x80  }
0x30: {  	[tilespmem:s20], [sflag:$0x1] =	stream.linear.gather @!p0 [hbm4b:s9+s19], $0x4000, $0x38;
	[tilespmem:$0x18880] =	vst v63  }
.Ltmp2:
0x31: {  	s20 =	simm.s32 @!p0 $0x8080;
	(pc) =	sbr.rel .LBB2_3-.Ltmp2, $4  }
0x32: {  	v4 =	vimm.f32 $0.0e+00;
	[tilespmem:s20], [sflag:$0x2] =	stream.linear.gather @!p0 [hbm4b:s10+s19], $0x4000, $0x38;
	[tilespmem:$0x18880] =	vst v63  }
0x33: {  	v3 =	vimm.f32 $0.0e+00;
	v6 =	vimm.f32 $0.0e+00;
	v8 =	vimm.f32 $0.0e+00;
	s20 =	simm.s32 @!p0 $0x10080  }
0x34: {  	v2 =	vimm.f32 $0.0e+00;
	v5 =	vimm.f32 $0.0e+00;
	v7 =	vimm.f32 $0.0e+00;
	[tilespmem:s20], [sflag:$0x3] =	stream.linear.gather @!p0 [hbm4b:s11+s19], $0x4000, $0x38;
	[tilespmem:$0x18880] =	vst v63  }
0x35: {  	v9 =	vimm.f32 $0.0e+00;
	v10 =	vimm.f32 $0.0e+00;
	v1 =	vimm.f32 $0.0e+00;
	p0 =	por $0x0, $0x0;
	s19 =	simm.s32 $0x0  }
.LBB2_5:
0x36: {  	v16 =	vmov v4;
	v17 =	vmov v10;
	v15 =	vmov v8  }
.LBB2_10:
0x37: {  	v14 =	vld [tilespmem:s21+$0xFFFFFFF0]  }
0x38: {  	v25 =	vld [tilespmem:s20+$0xFFFFFFF0]  }
0x39: {  	v26 =	vld [tilespmem:s21+$0x0]  }
0x3a: {  	v27 =	vld [tilespmem:s20+$0x0]  }
0x3b: {  	v53 =	vld [tilespmem:s21+$0x10]  }
0x3c: {  	v16 =	vadd.f32 @p1 v22, v16;
	v54 =	vld [tilespmem:s20+$0x10]  }
0x3d: {  	v17 =	vadd.f32 @p1 v24, v17;
	v55 =	vld [tilespmem:s21+$0xFFFFFFE0]  }
0x3e: {  	v56 =	vld [tilespmem:s20+$0xFFFFFFE0];
	v15 =	vadd.f32 @p1 v23, v15;
	v19 =	vsub.f32 v19, v20;
	v4 =	vpsel p1, v16, v4  }
0x3f: {  	v10 =	vpsel p1, v17, v10;
	v52 =	vsub.f32 v21, v20;
	v13 =	vsub.f32 v13, v14  }
0x40: {  	v8 =	vpsel p1, v15, v8;
	v14 =	vsub.f32 v25, v14;
	v12 =	vsub.f32 v12, v26  }
0x41: {  	v19 =	vmul.f32 v19, v19;
	v57 =	vsub.f32 v27, v26;
	v11 =	vsub.f32 v11, v53  }
0x42: {  	v20 =	vmul.f32 v52, v52;
	v59 =	vsub.f32 v54, v53;
	v18 =	vsub.f32 v18, v55  }
0x43: {  	v60 =	vsub.f32 v56, v55;
	v13 =	vmul.f32 v13, v13;
	v14 =	vmul.f32 v14, v14  }
0x44: {  	v2 =	vadd.f32 v19, v2;
	v12 =	vmul.f32 v12, v12;
	v58 =	vmul.f32 v57, v57  }
0x45: {  	v1 =	vadd.f32 v20, v1;
	v61 =	vmul.f32 v59, v59;
	v62 =	vmul.f32 v18, v18  }
0x46: {  	v63 =	vmul.f32 v60, v60;
	v9 =	vadd.f32 v13, v9;
	v6 =	vadd.f32 v14, v6  }
0x47: {  	v11 =	vmul.f32 v11, v11;
	v7 =	vadd.f32 v12, v7;
	v4 =	vadd.f32 v61, v4  }
0x48: {  	v10 =	vadd.f32 v62, v10;
	v8 =	vadd.f32 v63, v8  }
0x49: {  	v3 =	vadd.f32 v58, v3;
	v5 =	vadd.f32 v11, v5  }
.LBB2_2:
0x4a: {  	p1 =	seq.s32 s19, $0x8  }
.Ltmp3:
0x4b: {  	_ = 	snop;
	(pc) =	sbr.rel @p1 .LBB2_11-.Ltmp3, $2  }
0x4c: {  	_ =	sdelay $0x2  }
0x4d: {  	s18 =	sadd.s32 $0xFFFFFF80, s18;
	p0 =	por !p0, !p0  }
.LBB2_3:
0x4e: {  	s20 =	smov.u32 s19  }
0x4f: {  	s19 =	sadd.s32 $0x1, s19;
	p1 =	seq.s32 s20, $0x7  }
0x50: {  	s21 =	sshll.u32 @!p1 s19, $0x7  }
0x51: {  	s21 =	sadd.s32 @!p1 s8, s21  }
0x52: {  	s22 =	ssub.s32 @!p1 s17, s21  }
0x53: {  	p2 =	slt.s32 @!p1 s22, $0x1  }
0x54: {  	p1 =	por p2, p1  }
0x55: {  	s22 =	sand.u32 @!p1 $0x1, s19  }
0x56: {  	s21 =	sshll.u32 @!p1 s21, $0x7;
	s23 =	smul.u32 @!p1 $0xC, s22  }
0x57: {  	s31 =	sshll.u32 s20, $0x7;
	s28 =	simm.s32 @!p1 $0x0;
	s21 =	sadd.s32 @!p1 s7, s21  }
0x58: {  	s22 =	sshll.u32 @!p1 s22, $0xE;
	s21 =	sshrl.u32 @!p1 s21, $0x3;
	s23 =	sshrl.u32 @!p1 s23, $0x2  }
0x59: {  	s24 =	sor.u32 @!p1 $0x80, s22;
	s26 =	sadd.s32 @!p1 s4, s21;
	s25 =	sadd.s32 @!p1 $0x1, s23  }
0x5a: {  	[tilespmem:s24], [sflag:s25] =	stream.linear.gather @!p1 [hbm4b:s26+s28], $0x4000, $0x38;
	[tilespmem:$0x18880] =	vst v63  }
0x5b: {  	s24 =	sor.u32 @!p1 $0x8080, s22;
	s25 =	sadd.s32 @!p1 $0x2, s23;
	s26 =	sadd.s32 @!p1 s5, s21  }
0x5c: {  	[tilespmem:s24], [sflag:s25] =	stream.linear.gather @!p1 [hbm4b:s26+s28], $0x4000, $0x38;
	[tilespmem:$0x18880] =	vst v63  }
0x5d: {  	s22 =	sor.u32 @!p1 $0x10080, s22;
	s23 =	sadd.s32 @!p1 $0x3, s23;
	s21 =	sadd.s32 @!p1 s6, s21  }
0x5e: {  	[tilespmem:s22], [sflag:s23] =	stream.linear.gather @!p1 [hbm4b:s21+s28], $0x4000, $0x38;
	[tilespmem:$0x18880] =	vst v63  }
0x5f: {  	s21 =	sadd.s32 s31, s8  }
0x60: {  	s21 =	ssub.s32 s17, s21  }
0x61: {  	p1 =	slt.s32 s21, $0x1  }
.Ltmp4:
0x62: {  	_ = 	snop;
	(pc) =	sbr.rel @p1 .LBB2_2-.Ltmp4, $1  }
0x63: {  	_ =	sdelay $0x3  }
0x64: {  	s20 =	sand.u32 $0x1, s20  }
0x65: {  	s20 =	smul.u32 $0xC, s20;
	_ =	sdelay $0x1  }
0x66: {  	s20 =	sshrl.u32 s20, $0x2  }
0x67: {  	s21 =	sadd.s32 $0x1, s20  }
0x68: {  	_ =	swait.ge [sflag:s21], $0x4000  }
0x69: {  	[sflag:s21] =	ssyncset.done $0x0  }
0x6a: {  	s31 =	sadd.s32 $0x2, s20;
	[sflag:s21] =	ssyncadd.s32 $0xFFFFC000  }
0x6b: {  	_ =	swait.ge [sflag:s31], $0x4000  }
0x6c: {  	[sflag:s31] =	ssyncset.done $0x0  }
0x6d: {  	s20 =	sadd.s32 $0x3, s20;
	[sflag:s31] =	ssyncadd.s32 $0xFFFFC000  }
0x6e: {  	s22 =	simm.s32 $0x1;
	_ =	swait.ge [sflag:s20], $0x4000  }
0x6f: {  	p1 =	sgt.s32 s18, $0x1;
	s22 =	simm.s32 @!p0 $0x0;
	[sflag:s20] =	ssyncset.done $0x0  }
0x70: {  	s23 =	sshll.u32 s22, $0xE;
	[sflag:s20] =	ssyncadd.s32 $0xFFFFC000;
	s20 =	smov.u32 s18  }
0x71: {  	s22 =	sor.u32 $0xA0, s23;
	s20 =	simm.s32 @!p1 $0x1  }
0x72: {  	v18 =	vld [tilespmem:s22+$0xFFFFFFE0];
	s24 =	smin.u32 s20, $0x80  }
0x73: {  	v13 =	vld [tilespmem:s22+$0xFFFFFFF0];
	p2 =	seq.s32 s24, $0x1  }
.Ltmp5:
0x74: {  	v12 =	vld [tilespmem:s22+$0x0];
	(pc) =	sbr.rel @p2 .LBB2_5-.Ltmp5, $4  }
0x75: {  	v11 =	vld [tilespmem:s22+$0x10]  }
0x76: {  	s21 =	sor.u32 $0x100A0, s23;
	v19 =	vld [tilespmem:s22+$0x20]  }
0x77: {  	v20 =	vld [tilespmem:s21+$0x20];
	s20 =	sor.u32 $0x80A0, s23  }
0x78: {  	p1 =	por $0x0, $0x0;
	v21 =	vld [tilespmem:s20+$0x20];
	s23 =	sadd.s32 $0xFFFFFFFF, s24  }
0x79: {  	v14 =	vld [tilespmem:s21+$0xFFFFFFF0]  }
0x7a: {  	v16 =	vld [tilespmem:s20+$0xFFFFFFF0]  }
0x7b: {  	v17 =	vld [tilespmem:s21+$0x0]  }
0x7c: {  	v22 =	vld [tilespmem:s20+$0x0]  }
0x7d: {  	v24 =	vld [tilespmem:s21+$0xFFFFFFE0]  }
0x7e: {  	v15 =	vld [tilespmem:s20+$0xFFFFFFE0]  }
0x7f: {  	v19 =	vsub.f32 v19, v20;
	v20 =	vsub.f32 v21, v20;
	v21 =	vld [tilespmem:s21+$0x10]  }
0x80: {  	v23 =	vld [tilespmem:s20+$0x10];
	v13 =	vsub.f32 v13, v14  }
0x81: {  	v19 =	vmul.f32 v19, v19;
	v16 =	vsub.f32 v16, v14;
	v25 =	vsub.f32 v12, v17  }
0x82: {  	s22 =	sadd.s32 $0x80, s22;
	v17 =	vsub.f32 v22, v17;
	v18 =	vsub.f32 v18, v24;
	v20 =	vmul.f32 v20, v20  }
0x83: {  	v14 =	vld [tilespmem:s22+$0xFFFFFFE0];
	v15 =	vsub.f32 v15, v24;
	v2 =	vadd.f32 v19, v2;
	v16 =	vmul.f32 v16, v16  }
0x84: {  	p2 =	seq.s32 s23, $0x1;
	v12 =	vld [tilespmem:s22+$0x0];
	v19 =	vmul.f32 v13, v13;
	v1 =	vadd.f32 v20, v1;
	v20 =	vsub.f32 v11, v21  }
.Ltmp6:
0x85: {  	v13 =	vld [tilespmem:s22+$0xFFFFFFF0];
	v6 =	vadd.f32 v16, v6;
	v16 =	vmul.f32 v17, v17;
	v17 =	vsub.f32 v23, v21;
	(pc) =	sbr.rel @p2 .LBB2_7-.Ltmp6, $4  }
0x86: {  	v22 =	vmul.f32 v25, v25;
	v11 =	vld [tilespmem:s22+$0x10]  }
0x87: {  	s21 =	sadd.s32 $0x80, s21;
	v24 =	vmul.f32 v18, v18;
	v9 =	vadd.f32 v19, v9;
	v19 =	vld [tilespmem:s22+$0x20];
	v25 =	vmul.f32 v20, v20  }
0x88: {  	s20 =	sadd.s32 $0x80, s20;
	v7 =	vadd.f32 v22, v7;
	v23 =	vmul.f32 v15, v15;
	v20 =	vld [tilespmem:s21+$0x20];
	v22 =	vmul.f32 v17, v17  }
0x89: {  	s23 =	sadd.s32 $0xFFFFFFFF, s23;
	p1 =	por $0x1, $0x1;
	v21 =	vld [tilespmem:s20+$0x20];
	v15 =	vmovc v8;
	v3 =	vadd.f32 v16, v3;
	v5 =	vadd.f32 v25, v5;
	v16 =	vmovc v4;
	v17 =	vmov v10  }
.LBB2_8:
0x8a: {  	p2 =	seq.s32 s23, $0x1;
	v18 =	vld [tilespmem:s20+$0xFFFFFFE0];
	v16 =	vadd.f32 v22, v16  }
0x8b: {  	v22 =	vld [tilespmem:s21+$0xFFFFFFF0];
	v17 =	vadd.f32 v24, v17;
	v15 =	vadd.f32 v23, v15  }
0x8c: {  	v23 =	vld [tilespmem:s20+$0xFFFFFFF0]  }
0x8d: {  	v24 =	vld [tilespmem:s21+$0x0];
	v19 =	vsub.f32 v19, v20  }
0x8e: {  	v25 =	vld [tilespmem:s20+$0x0];
	v20 =	vsub.f32 v21, v20  }
0x8f: {  	v21 =	vld [tilespmem:s21+$0x10];
	v19 =	vmul.f32 v19, v19  }
0x90: {  	v13 =	vsub.f32 v13, v22;
	v26 =	vld [tilespmem:s20+$0x10];
	v20 =	vmul.f32 v20, v20  }
0x91: {  	s22 =	sadd.s32 $0x80, s22;
	v27 =	vld [tilespmem:s21+$0xFFFFFFE0];
	v22 =	vsub.f32 v23, v22;
	v2 =	vadd.f32 v19, v2  }
0x92: {  	v23 =	vld [tilespmem:s22+$0xFFFFFFE0];
	v19 =	vmul.f32 v13, v13;
	v28 =	vsub.f32 v12, v24;
	v1 =	vadd.f32 v20, v1  }
0x93: {  	v13 =	vld [tilespmem:s22+$0xFFFFFFF0];
	v20 =	vmul.f32 v22, v22;
	v22 =	vsub.f32 v25, v24  }
.Ltmp7:
0x94: {  	v12 =	vld [tilespmem:s22+$0x0];
	v9 =	vadd.f32 v19, v9;
	v24 =	vmul.f32 v28, v28;
	v25 =	vsub.f32 v11, v21;
	(pc) =	sbr.rel @!p2 .LBB2_8-.Ltmp7, $4  }
0x95: {  	v11 =	vld [tilespmem:s22+$0x10];
	v6 =	vadd.f32 v20, v6;
	v22 =	vmul.f32 v22, v22;
	v21 =	vsub.f32 v26, v21  }
0x96: {  	s21 =	sadd.s32 $0x80, s21;
	v19 =	vld [tilespmem:s22+$0x20];
	v26 =	vsub.f32 v14, v27;
	v18 =	vsub.f32 v18, v27;
	v25 =	vmul.f32 v25, v25  }
0x97: {  	s20 =	sadd.s32 $0x80, s20;
	v7 =	vadd.f32 v24, v7;
	v20 =	vld [tilespmem:s21+$0x20];
	v3 =	vadd.f32 v22, v3;
	v22 =	vmul.f32 v21, v21;
	v14 =	vmovc v23  }
0x98: {  	s23 =	sadd.s32 $0xFFFFFFFF, s23;
	v21 =	vld [tilespmem:s20+$0x20];
	v24 =	vmul.f32 v26, v26;
	v23 =	vmul.f32 v18, v18;
	v5 =	vadd.f32 v25, v5  }
.Ltmp8:
0x99: {  	(pc) =	sbr.rel .LBB2_10-.Ltmp8, $2  }
0x9a: {  	_ =	sdelay $0x2  }
0x9b: {  	v18 =	vmov v14  }
.LBB2_7:
.Ltmp9:
0x9c: {  	(pc) =	sbr.rel .LBB2_10-.Ltmp9, $2  }
0x9d: {  	_ =	sdelay $0x2  }
0x9e: {  	v16 =	vmovc v4;
	v17 =	vmov v10;
	v15 =	vmov v8;
	v18 =	vmov v14  }
.LBB2_12:
0x9f: {  	_ =	sfence.sel $0x180000  }
0xa0: {  	[bflag:$0x0] =	sbarrier.arrive $0xFFFF  }
0xa1: {  	p0 =	sne.s32 s0, $0x0;
	_ =	strace $0x90000047  }
0xa2: {  	s0 =	sadd.s32 @!p0 $0x100000, s1;
	[bflag:$0x2] =	sbarrier.arrive $0xFFFF  }
0xa3: {  	[sflag:s0] =	ssyncadd.tile.s32 @!p0 $0x1;
	_ =	shalt  }
.Lfunc_end2:
_tile_overlayer_lowered:
.L_overlay_start_2:
0xa4: {  	(tag) =	ssettag $0x2  }
0xa5: {  	s0 =	rddreg [dreg:$0x0];
	s2 =	stileid.u32  }
0xa6: {  	s1 =	rddreg [dreg:$0x1];
	p0 =	sne.s32 s2, $0x0  }
0xa7: {  	s3 =	rddreg [dreg:$0x2];
	[bflag:$0x3] =	sbarrier.arrive $0xFFFF;
	s2 =	simm.s32 @!p0 $0x1C07  }
0xa8: {  	[timem:s3], [sflag:s2] =	dma.local @!p0 [hbm:s0], s1  }
0xa9: {  	s0 =	simm.s32 @!p0 $0x7  }
0xaa: {  	_ =	swait.ge @!p0 [sflag:s0], s1  }
0xab: {  	s1 =	ssub.s32 @!p0 $0x0, s1;
	[sflag:s0] =	ssyncset.done @!p0 $0x0  }
0xac: {  	[sflag:s0] =	ssyncadd.s32 @!p0 s1  }
0xad: {  	[bflag:$0x3] =	sbarrier.arrive $0xFFFF  }
0xae: {  	_ =	shalt  }

</sc_bundles>
